<compile_context>
chip_gen: v7x
topology: tpu7x:2x2x1
jax: 0.10.2.dev20260603
libtpu: 0.0.44.dev20260713+nightly
codegen_flags: <defaults>
</compile_context>

<pallas_src>
import functools

import jax
import jax.numpy as jnp
import numpy as np
from jax import lax
from jax.experimental import pallas as pl
from jax.experimental.pallas import tpu as pltpu
from jax.experimental.pallas import tpu_sc as plsc

_NUM_LAYERS = 12
_POOL = 100
_NUM_PROMPTS = 10
_TOP_K = 4
_D = 768
_B = 64

_NROWS = _NUM_LAYERS * _B * _TOP_K
_POOLP = 104
_VOCAB = _NUM_LAYERS * _POOLP
_SLAB = 64

_NC, _NS = 2, 16
_NW = _NC * _NS
_IPW = 24
_GRP = 8
_NSEG = _NROWS * 60


def _seg_pattern() -> np.ndarray:
    p = np.zeros((_TOP_K, 64), np.int32)
    for j in range(_TOP_K):
        for s in range(60):
            t, dblk = s // 6, s % 6
            r40 = 10 * j + t
            p[j, s] = (r40 // 8) * 48 + dblk * 8 + (r40 % 8)
        p[j, 60:] = p[j, 59]
    return p


_PSEG = _seg_pattern()


def _prep_body(x_ref, ek_ref, ep_ref, idx_ref, tab_ref):
    neg = jnp.float32(-3.0e38)
    l = pl.program_id(0)
    k_mat = ek_ref[0].astype(jnp.bfloat16)
    q = x_ref[0].astype(jnp.bfloat16)
    s = lax.dot_general(q, k_mat, (((1,), (1,)), ((), ())),
                        preferred_element_type=jnp.float32)
    col = lax.broadcasted_iota(jnp.int32, (_B, _POOL), 1)
    out_col = lax.broadcasted_iota(jnp.int32, (_B, 128), 1)
    acc = jnp.zeros((_B, 128), jnp.int32)
    for j in range(_TOP_K):
        m = jnp.max(s, axis=1, keepdims=True)
        idx = jnp.min(jnp.where(s >= m, col, _POOL), axis=1, keepdims=True)
        acc = jnp.where(out_col == j, l * _POOLP + idx, acc)
        s = jnp.where(col == idx, neg, s)
    idx_ref[0] = acc

    x = ep_ref[0]
    xt = jnp.transpose(x, (1, 0, 2))
    tab_ref[:, :60, :] = xt.reshape(_POOLP, 60, 128)
    tab_ref[:, 60:, :] = jnp.zeros((_POOLP, 4, 128), jnp.float32)


def _gather_body(tab_hbm, idx_hbm, pseg_hbm, out_hbm,
                 idx_v, pseg_v, seg_v, buf0, buf1,
                 sem_g0, sem_g1, sem_s0, sem_s1):
    wid = lax.axis_index("s") * _NC + lax.axis_index("c")
    f0 = wid * _IPW
    for k in range(_IPW // _GRP):
        g = f0 // _GRP + k
        l = g // (_B // _GRP)
        b0 = (g % (_B // _GRP)) * _GRP
        pltpu.sync_copy(idx_hbm.at[l, pl.ds(b0, _GRP)],
                        idx_v.at[pl.ds(k * _GRP, _GRP)])
    pltpu.sync_copy(pseg_hbm, pseg_v)

    def build(i, carry):
        base = (f0 + i) * 240
        for j in range(_TOP_K):
            g = i * _TOP_K + j
            for off in (0, 16, 32, 44):
                seg_v[g, pl.ds(off, 16)] = pseg_v[j, pl.ds(off, 16)] + base
        return carry

    lax.fori_loop(0, _IPW, build, 0)

    bufs = (buf0, buf1)
    gsems = (sem_g0, sem_g1)
    ssems = (sem_s0, sem_s1)

    def fire_gather(i, slot):
        pltpu.async_copy(tab_hbm.at[idx_v.at[i, pl.ds(0, _TOP_K)]],
                         bufs[slot], gsems[slot])

    def wait_gather(i, slot):
        pltpu.make_async_copy(tab_hbm.at[idx_v.at[i, pl.ds(0, _TOP_K)]],
                              bufs[slot], gsems[slot]).wait()

    def fire_scatters(i, slot):
        for j in range(_TOP_K):
            pltpu.async_copy(bufs[slot].at[j, pl.ds(0, 60)],
                             out_hbm.at[seg_v.at[i * _TOP_K + j]],
                             ssems[slot])

    def wait_scatters(i, slot):
        for j in range(_TOP_K):
            pltpu.make_async_copy(bufs[slot].at[j, pl.ds(0, 60)],
                                  out_hbm.at[seg_v.at[i * _TOP_K + j]],
                                  ssems[slot]).wait()

    fire_gather(0, 0)
    fire_gather(1, 1)
    wait_gather(0, 0)
    fire_scatters(0, 0)

    def pair(k, carry):
        i = 2 * k + 1
        wait_scatters(i - 1, 0)
        fire_gather(i + 1, 0)
        wait_gather(i, 1)
        fire_scatters(i, 1)
        i2 = i + 1
        wait_scatters(i2 - 1, 1)
        fire_gather(i2 + 1, 1)
        wait_gather(i2, 0)
        fire_scatters(i2, 0)
        return carry

    lax.fori_loop(0, (_IPW - 2) // 2, pair, 0)
    wait_scatters(_IPW - 2, 0)
    wait_gather(_IPW - 1, 1)
    fire_scatters(_IPW - 1, 1)
    wait_scatters(_IPW - 1, 1)


def _normalize_rows(x):
    n = jnp.linalg.norm(x, axis=1, keepdims=True)
    return x / jnp.maximum(n, 1e-12)


def kernel(x_query, e_p, e_k, vis_mark):
    qn = jnp.stack([_normalize_rows(x_query[:, l])
                    for l in range(_NUM_LAYERS)])
    kn = _normalize_rows(e_k.reshape(_NUM_LAYERS * _POOL, _D)).reshape(
        _NUM_LAYERS, _POOL, _D)
    ep_t = e_p.transpose(0, 2, 1, 3)
    idx, table = pl.pallas_call(
        _prep_body,
        grid=(_NUM_LAYERS,),
        in_specs=[
            pl.BlockSpec((1, _B, _D), lambda l: (l, 0, 0)),
            pl.BlockSpec((1, _POOL, _D), lambda l: (l, 0, 0)),
            pl.BlockSpec((1, _NUM_PROMPTS, _POOLP, _D), lambda l: (l, 0, 0, 0)),
        ],
        out_specs=[
            pl.BlockSpec((1, _B, 128), lambda l: (l, 0, 0)),
            pl.BlockSpec((_POOLP, _SLAB, 128), lambda l: (l, 0, 0)),
        ],
        out_shape=[
            jax.ShapeDtypeStruct((_NUM_LAYERS, _B, 128), jnp.int32),
            jax.ShapeDtypeStruct((_VOCAB, _SLAB, 128), jnp.float32),
        ],
    )(qn, kn, ep_t)

    mesh = plsc.VectorSubcoreMesh(core_axis_name="c", subcore_axis_name="s",
                                  num_cores=_NC, num_subcores=_NS)
    fn = pl.kernel(
        _gather_body,
        out_type=jax.ShapeDtypeStruct((_NSEG, 128), jnp.float32),
        mesh=mesh,
        scratch_types=[
            pltpu.VMEM((_IPW, 128), jnp.int32),
            pltpu.VMEM((_TOP_K, 64), jnp.int32),
            pltpu.VMEM((_IPW * _TOP_K, 60), jnp.int32),
            pltpu.VMEM((_TOP_K, _SLAB, 128), jnp.float32),
            pltpu.VMEM((_TOP_K, _SLAB, 128), jnp.float32),
            pltpu.SemaphoreType.DMA,
            pltpu.SemaphoreType.DMA,
            pltpu.SemaphoreType.DMA,
            pltpu.SemaphoreType.DMA,
        ],
    )
    rows = fn(table, idx, jnp.asarray(_PSEG))
    p_return = (rows.reshape(_NUM_LAYERS, _B, 5, 6, 8, 128)
                .transpose(0, 1, 2, 4, 3, 5)
                .reshape(_NUM_LAYERS, _B, _TOP_K * _NUM_PROMPTS, _D))
    return (p_return, 0.0)

# --- scband reference (transcript-rebuilt; emitter-appended) ---
"""Pipeline reference for scband-l2-porg-76038101008833 (READ-ONLY COPY).

The authoritative reference and input builder live on the scoring server;
editing this copy changes nothing except your own understanding.
"""

import jax, jax.numpy as jnp
import numpy as np

NUM_LAYERS = 12
POOL_SIZE = 100
NUM_PROMPTS = 10
TOP_K = 4
EMB_D = 768
KEY_D = 768
B = 64

def _normalize(x, axis):
    n = jnp.linalg.norm(x, axis=axis, keepdims=True)
    return x / jnp.maximum(n, 1e-12)

def setup_inputs(seed: int = 0) -> dict:
    key = jax.random.key(seed)
    k1, k2, k3 = jax.random.split(key, 3)
    x_query = jax.random.normal(k1, (B, NUM_LAYERS, KEY_D), dtype=jnp.float32)
    # learned parameters: per-layer prompt pool and keys (torch nn.init.uniform_ -> U[0,1))
    e_p = jax.random.uniform(k2, (NUM_LAYERS, POOL_SIZE, NUM_PROMPTS, EMB_D), dtype=jnp.float32)
    e_k = jax.random.uniform(k3, (NUM_LAYERS, POOL_SIZE, KEY_D), dtype=jnp.float32)
    return {"x_query": x_query, "e_p": e_p, "e_k": e_k, "vis_mark": 0}

def reference(x_query, e_p, e_k, vis_mark=0):
    # eval path (train=False, vis_period=0) of L2POrg.forward
    Bq, nL, C = x_query.shape
    p_return = []
    p_loss = 0.0
    for l in range(nL):
        K = e_k[l]                      # [pool, key_d]
        p = e_p[l]                      # [pool, len, emb_d]
        n_K = _normalize(K, axis=1)
        q = _normalize(x_query[:, l], axis=1)
        q = jax.lax.stop_gradient(q)    # .detach() in torch
        cos_sim = jnp.einsum('bj,kj->bk', q, n_K)
        _, k_idx = jax.lax.top_k(cos_sim, TOP_K)        # [B, top_k]
        P_ = jnp.take(p, k_idx, axis=0).reshape(Bq, TOP_K * NUM_PROMPTS, -1)
        p_return.append(P_)
    p_return = jnp.stack(p_return, axis=0)  # [nL, B, top_k*len, emb_d]
    return (p_return, p_loss)

if __name__ == "__main__":
    import jax
    _d = setup_inputs()
    print(jax.jit(kernel)(*tuple(_d.values())))

</pallas_src>

<mosaic_0001>
#map = affine_map<(d0, d1) -> (0, 0, 0)>
#map1 = affine_map<(d0, d1) -> (0, 0)>
module attributes {stable_mosaic.version = 14 : i64} {
  func.func @_gather_body(%arg0: i32, %arg1: i32, %arg2: memref<1248x64x128xf32, #tpu.memory_space<hbm>>, %arg3: memref<12x64x128xi32, #tpu.memory_space<hbm>>, %arg4: memref<4x64xi32, #tpu.memory_space<hbm>>, %arg5: memref<184320x128xf32, #tpu.memory_space<hbm>>, %arg6: memref<24x128xi32, #tpu.memory_space<vmem>>, %arg7: memref<4x64xi32, #tpu.memory_space<vmem>>, %arg8: memref<96x60xi32, #tpu.memory_space<vmem>>, %arg9: memref<4x64x128xf32, #tpu.memory_space<vmem>>, %arg10: memref<4x64x128xf32, #tpu.memory_space<vmem>>, %arg11: memref<!tpu.dma_semaphore, #tpu.memory_space<semaphore_mem>>, %arg12: memref<!tpu.dma_semaphore, #tpu.memory_space<semaphore_mem>>, %arg13: memref<!tpu.dma_semaphore, #tpu.memory_space<semaphore_mem>>, %arg14: memref<!tpu.dma_semaphore, #tpu.memory_space<semaphore_mem>>) attributes {dimension_semantics = [#tpu.dimension_semantics<core_parallel>, #tpu.dimension_semantics<subcore_parallel>], iteration_bounds = array<i64: 2, 16>, scalar_prefetch = 0 : i64, scratch_operands = 9 : i64, tpu.core_type = #tpu.core_type<sc_vector_subcore>, window_params = [{transform_indices = #map}, {transform_indices = #map}, {transform_indices = #map1}, {transform_indices = #map1}]} {
    %mul3A = arith.constant 2 : i32
    %mul3A_0 = arith.muli %arg1, %mul3A : i32
    %add3A = arith.addi %mul3A_0, %arg0 : i32
    %mul3A_1 = arith.constant 24 : i32
    %mul3A_2 = arith.muli %add3A, %mul3A_1 : i32
    %jit3A = arith.constant 8 : i32
    %div3A = arith.divsi %mul3A_2, %jit3A : i32
    %sign3A = arith.constant 0 : i32
    %sign3A_3 = arith.cmpi sgt, %mul3A_2, %sign3A : i32
    %sign3A_4 = arith.extui %sign3A_3 : i1 to i32
    %sign3A_5 = arith.constant 0 : i32
    %sign3A_6 = arith.cmpi slt, %mul3A_2, %sign3A_5 : i32
    %sign3A_7 = arith.extui %sign3A_6 : i1 to i32
    %sign3A_8 = arith.subi %sign3A_4, %sign3A_7 : i32
    %sign3A_9 = arith.constant 0 : i32
    %sign3A_10 = arith.cmpi sgt, %jit3A, %sign3A_9 : i32
    %sign3A_11 = arith.extui %sign3A_10 : i1 to i32
    %sign3A_12 = arith.constant 0 : i32
    %sign3A_13 = arith.cmpi slt, %jit3A, %sign3A_12 : i32
    %sign3A_14 = arith.extui %sign3A_13 : i1 to i32
    %sign3A_15 = arith.subi %sign3A_11, %sign3A_14 : i32
    %ne3A = arith.cmpi ne, %sign3A_8, %sign3A_15 : i32
    %rem3A = arith.remsi %mul3A_2, %jit3A : i32
    %ne3A_16 = arith.constant 0 : i32
    %ne3A_17 = arith.cmpi ne, %rem3A, %ne3A_16 : i32
    %and3A = arith.andi %ne3A, %ne3A_17 : i1
    %sub3A = arith.constant 1 : i32
    %sub3A_18 = arith.subi %div3A, %sub3A : i32
    %select_n3A = arith.select %and3A, %sub3A_18, %div3A : i32
    %add3A_19 = arith.constant 0 : i32
    %add3A_20 = arith.addi %select_n3A, %add3A_19 : i32
    %jit3A_21 = arith.constant 8 : i32
    %div3A_22 = arith.divsi %add3A_20, %jit3A_21 : i32
    %sign3A_23 = arith.constant 0 : i32
    %sign3A_24 = arith.cmpi sgt, %add3A_20, %sign3A_23 : i32
    %sign3A_25 = arith.extui %sign3A_24 : i1 to i32
    %sign3A_26 = arith.constant 0 : i32
    %sign3A_27 = arith.cmpi slt, %add3A_20, %sign3A_26 : i32
    %sign3A_28 = arith.extui %sign3A_27 : i1 to i32
    %sign3A_29 = arith.subi %sign3A_25, %sign3A_28 : i32
    %sign3A_30 = arith.constant 0 : i32
    %sign3A_31 = arith.cmpi sgt, %jit3A_21, %sign3A_30 : i32
    %sign3A_32 = arith.extui %sign3A_31 : i1 to i32
    %sign3A_33 = arith.constant 0 : i32
    %sign3A_34 = arith.cmpi slt, %jit3A_21, %sign3A_33 : i32
    %sign3A_35 = arith.extui %sign3A_34 : i1 to i32
    %sign3A_36 = arith.subi %sign3A_32, %sign3A_35 : i32
    %ne3A_37 = arith.cmpi ne, %sign3A_29, %sign3A_36 : i32
    %rem3A_38 = arith.remsi %add3A_20, %jit3A_21 : i32
    %ne3A_39 = arith.constant 0 : i32
    %ne3A_40 = arith.cmpi ne, %rem3A_38, %ne3A_39 : i32
    %and3A_41 = arith.andi %ne3A_37, %ne3A_40 : i1
    %sub3A_42 = arith.constant 1 : i32
    %sub3A_43 = arith.subi %div3A_22, %sub3A_42 : i32
    %select_n3A_44 = arith.select %and3A_41, %sub3A_43, %div3A_22 : i32
    %jit3A_45 = arith.constant 8 : i32
    %eq3A = arith.constant 0 : i32
    %eq3A_46 = arith.cmpi eq, %jit3A_45, %eq3A : i32
    %jit3A_47 = arith.constant 1 : i32
    %select_n3A_48 = arith.select %eq3A_46, %jit3A_47, %jit3A_45 : i32
    %rem3A_49 = arith.remsi %add3A_20, %select_n3A_48 : i32
    %ne3A_50 = arith.constant 0 : i32
    %ne3A_51 = arith.cmpi ne, %rem3A_49, %ne3A_50 : i32
    %lt3A = arith.constant 0 : i32
    %lt3A_52 = arith.cmpi slt, %rem3A_49, %lt3A : i32
    %lt3A_53 = arith.constant 0 : i32
    %lt3A_54 = arith.cmpi slt, %select_n3A_48, %lt3A_53 : i32
    %ne3A_55 = arith.xori %lt3A_52, %lt3A_54 : i1
    %and3A_56 = arith.andi %ne3A_55, %ne3A_51 : i1
    %add3A_57 = arith.addi %rem3A_49, %select_n3A_48 : i32
    %select_n3A_58 = arith.select %and3A_56, %add3A_57, %rem3A_49 : i32
    %mul3A_59 = arith.constant 8 : i32
    %mul3A_60 = arith.muli %select_n3A_58, %mul3A_59 : i32
    "tpu.region"() ({
      %run_scoped3A = tpu.sem_alloc : memref<!tpu.dma_semaphore, #tpu.memory_space<semaphore_mem>>
      %dma_start3A_430 = arith.constant 0 : i32
      %dma_start3A_431 = arith.constant 0 : i32
      %dma_start3A_432 = tpu.memref_slice %arg6[%dma_start3A_430, %dma_start3A_431] : memref<24x128xi32, #tpu.memory_space<vmem>> -> memref<8x128xi32, #tpu.memory_space<vmem>>
      %dma_start3A_433 = arith.constant 0 : i32
      %dma_start3A_434 = tpu.memref_slice %arg3[%select_n3A_44, %mul3A_60, %dma_start3A_433] : memref<12x64x128xi32, #tpu.memory_space<hbm>> -> memref<1x8x128xi32, #tpu.memory_space<hbm>>
      %dma_start3A_435 = tpu.memref_squeeze %dma_start3A_434 : memref<1x8x128xi32, #tpu.memory_space<hbm>> -> memref<8x128xi32, #tpu.memory_space<hbm>>
      %dma_start3A_436 = arith.constant 0 : i32
      %dma_start3A_437 = arith.constant 0 : i32
      %dma_start3A_438 = tpu.memref_slice %arg6[%dma_start3A_436, %dma_start3A_437] : memref<24x128xi32, #tpu.memory_space<vmem>> -> memref<8x128xi32, #tpu.memory_space<vmem>>
      %dma_start3A_439 = arith.constant 0 : i32
      %dma_start3A_440 = tpu.memref_slice %arg3[%select_n3A_44, %mul3A_60, %dma_start3A_439] : memref<12x64x128xi32, #tpu.memory_space<hbm>> -> memref<1x8x128xi32, #tpu.memory_space<hbm>>
      %dma_start3A_441 = tpu.memref_squeeze %dma_start3A_440 : memref<1x8x128xi32, #tpu.memory_space<hbm>> -> memref<8x128xi32, #tpu.memory_space<hbm>>
      tpu.enqueue_dma source(%dma_start3A_441 : memref<8x128xi32, #tpu.memory_space<hbm>>) target(%dma_start3A_438 : memref<8x128xi32, #tpu.memory_space<vmem>>) target_semaphore(%run_scoped3A : memref<!tpu.dma_semaphore, #tpu.memory_space<semaphore_mem>>)
      %dma_wait3A_442 = arith.constant 0 : i32
      %dma_wait3A_443 = arith.constant 0 : i32
      %dma_wait3A_444 = tpu.memref_slice %arg6[%dma_wait3A_442, %dma_wait3A_443] : memref<24x128xi32, #tpu.memory_space<vmem>> -> memref<8x128xi32, #tpu.memory_space<vmem>>
      %dma_wait3A_445 = arith.constant 0 : i32
      %dma_wait3A_446 = tpu.memref_slice %arg3[%select_n3A_44, %mul3A_60, %dma_wait3A_445] : memref<12x64x128xi32, #tpu.memory_space<hbm>> -> memref<1x8x128xi32, #tpu.memory_space<hbm>>
      %dma_wait3A_447 = tpu.memref_squeeze %dma_wait3A_446 : memref<1x8x128xi32, #tpu.memory_space<hbm>> -> memref<8x128xi32, #tpu.memory_space<hbm>>
      %dma_wait3A_448 = arith.constant 0 : i32
      %dma_wait3A_449 = arith.constant 0 : i32
      %dma_wait3A_450 = tpu.memref_slice %arg6[%dma_wait3A_448, %dma_wait3A_449] : memref<24x128xi32, #tpu.memory_space<vmem>> -> memref<8x128xi32, #tpu.memory_space<vmem>>
      %dma_wait3A_451 = arith.constant 0 : i32
      %dma_wait3A_452 = tpu.memref_slice %arg3[%select_n3A_44, %mul3A_60, %dma_wait3A_451] : memref<12x64x128xi32, #tpu.memory_space<hbm>> -> memref<1x8x128xi32, #tpu.memory_space<hbm>>
      %dma_wait3A_453 = tpu.memref_squeeze %dma_wait3A_452 : memref<1x8x128xi32, #tpu.memory_space<hbm>> -> memref<8x128xi32, #tpu.memory_space<hbm>>
      tpu.wait_dma2 semaphore(%run_scoped3A : memref<!tpu.dma_semaphore, #tpu.memory_space<semaphore_mem>>) src(%dma_wait3A_453 : memref<8x128xi32, #tpu.memory_space<hbm>>) dst(%dma_wait3A_450 : memref<8x128xi32, #tpu.memory_space<vmem>>)
      tpu.yield
    }) : () -> ()
    %jit3A_61 = arith.constant 8 : i32
    %div3A_62 = arith.divsi %mul3A_2, %jit3A_61 : i32
    %sign3A_63 = arith.constant 0 : i32
    %sign3A_64 = arith.cmpi sgt, %mul3A_2, %sign3A_63 : i32
    %sign3A_65 = arith.extui %sign3A_64 : i1 to i32
    %sign3A_66 = arith.constant 0 : i32
    %sign3A_67 = arith.cmpi slt, %mul3A_2, %sign3A_66 : i32
    %sign3A_68 = arith.extui %sign3A_67 : i1 to i32
    %sign3A_69 = arith.subi %sign3A_65, %sign3A_68 : i32
    %sign3A_70 = arith.constant 0 : i32
    %sign3A_71 = arith.cmpi sgt, %jit3A_61, %sign3A_70 : i32
    %sign3A_72 = arith.extui %sign3A_71 : i1 to i32
    %sign3A_73 = arith.constant 0 : i32
    %sign3A_74 = arith.cmpi slt, %jit3A_61, %sign3A_73 : i32
    %sign3A_75 = arith.extui %sign3A_74 : i1 to i32
    %sign3A_76 = arith.subi %sign3A_72, %sign3A_75 : i32
    %ne3A_77 = arith.cmpi ne, %sign3A_69, %sign3A_76 : i32
    %rem3A_78 = arith.remsi %mul3A_2, %jit3A_61 : i32
    %ne3A_79 = arith.constant 0 : i32
    %ne3A_80 = arith.cmpi ne, %rem3A_78, %ne3A_79 : i32
    %and3A_81 = arith.andi %ne3A_77, %ne3A_80 : i1
    %sub3A_82 = arith.constant 1 : i32
    %sub3A_83 = arith.subi %div3A_62, %sub3A_82 : i32
    %select_n3A_84 = arith.select %and3A_81, %sub3A_83, %div3A_62 : i32
    %add3A_85 = arith.constant 1 : i32
    %add3A_86 = arith.addi %select_n3A_84, %add3A_85 : i32
    %jit3A_87 = arith.constant 8 : i32
    %div3A_88 = arith.divsi %add3A_86, %jit3A_87 : i32
    %sign3A_89 = arith.constant 0 : i32
    %sign3A_90 = arith.cmpi sgt, %add3A_86, %sign3A_89 : i32
    %sign3A_91 = arith.extui %sign3A_90 : i1 to i32
    %sign3A_92 = arith.constant 0 : i32
    %sign3A_93 = arith.cmpi slt, %add3A_86, %sign3A_92 : i32
    %sign3A_94 = arith.extui %sign3A_93 : i1 to i32
    %sign3A_95 = arith.subi %sign3A_91, %sign3A_94 : i32
    %sign3A_96 = arith.constant 0 : i32
    %sign3A_97 = arith.cmpi sgt, %jit3A_87, %sign3A_96 : i32
    %sign3A_98 = arith.extui %sign3A_97 : i1 to i32
    %sign3A_99 = arith.constant 0 : i32
    %sign3A_100 = arith.cmpi slt, %jit3A_87, %sign3A_99 : i32
    %sign3A_101 = arith.extui %sign3A_100 : i1 to i32
    %sign3A_102 = arith.subi %sign3A_98, %sign3A_101 : i32
    %ne3A_103 = arith.cmpi ne, %sign3A_95, %sign3A_102 : i32
    %rem3A_104 = arith.remsi %add3A_86, %jit3A_87 : i32
    %ne3A_105 = arith.constant 0 : i32
    %ne3A_106 = arith.cmpi ne, %rem3A_104, %ne3A_105 : i32
    %and3A_107 = arith.andi %ne3A_103, %ne3A_106 : i1
    %sub3A_108 = arith.constant 1 : i32
    %sub3A_109 = arith.subi %div3A_88, %sub3A_108 : i32
    %select_n3A_110 = arith.select %and3A_107, %sub3A_109, %div3A_88 : i32
    %jit3A_111 = arith.constant 8 : i32
    %eq3A_112 = arith.constant 0 : i32
    %eq3A_113 = arith.cmpi eq, %jit3A_111, %eq3A_112 : i32
    %jit3A_114 = arith.constant 1 : i32
    %select_n3A_115 = arith.select %eq3A_113, %jit3A_114, %jit3A_111 : i32
    %rem3A_116 = arith.remsi %add3A_86, %select_n3A_115 : i32
    %ne3A_117 = arith.constant 0 : i32
    %ne3A_118 = arith.cmpi ne, %rem3A_116, %ne3A_117 : i32
    %lt3A_119 = arith.constant 0 : i32
    %lt3A_120 = arith.cmpi slt, %rem3A_116, %lt3A_119 : i32
    %lt3A_121 = arith.constant 0 : i32
    %lt3A_122 = arith.cmpi slt, %select_n3A_115, %lt3A_121 : i32
    %ne3A_123 = arith.xori %lt3A_120, %lt3A_122 : i1
    %and3A_124 = arith.andi %ne3A_123, %ne3A_118 : i1
    %add3A_125 = arith.addi %rem3A_116, %select_n3A_115 : i32
    %select_n3A_126 = arith.select %and3A_124, %add3A_125, %rem3A_116 : i32
    %mul3A_127 = arith.constant 8 : i32
    %mul3A_128 = arith.muli %select_n3A_126, %mul3A_127 : i32
    "tpu.region"() ({
      %run_scoped3A = tpu.sem_alloc : memref<!tpu.dma_semaphore, #tpu.memory_space<semaphore_mem>>
      %dma_start3A_430 = arith.constant 8 : i32
      %dma_start3A_431 = arith.constant 0 : i32
      %dma_start3A_432 = tpu.memref_slice %arg6[%dma_start3A_430, %dma_start3A_431] : memref<24x128xi32, #tpu.memory_space<vmem>> -> memref<8x128xi32, #tpu.memory_space<vmem>>
      %dma_start3A_433 = arith.constant 0 : i32
      %dma_start3A_434 = tpu.memref_slice %arg3[%select_n3A_110, %mul3A_128, %dma_start3A_433] : memref<12x64x128xi32, #tpu.memory_space<hbm>> -> memref<1x8x128xi32, #tpu.memory_space<hbm>>
      %dma_start3A_435 = tpu.memref_squeeze %dma_start3A_434 : memref<1x8x128xi32, #tpu.memory_space<hbm>> -> memref<8x128xi32, #tpu.memory_space<hbm>>
      %dma_start3A_436 = arith.constant 8 : i32
      %dma_start3A_437 = arith.constant 0 : i32
      %dma_start3A_438 = tpu.memref_slice %arg6[%dma_start3A_436, %dma_start3A_437] : memref<24x128xi32, #tpu.memory_space<vmem>> -> memref<8x128xi32, #tpu.memory_space<vmem>>
      %dma_start3A_439 = arith.constant 0 : i32
      %dma_start3A_440 = tpu.memref_slice %arg3[%select_n3A_110, %mul3A_128, %dma_start3A_439] : memref<12x64x128xi32, #tpu.memory_space<hbm>> -> memref<1x8x128xi32, #tpu.memory_space<hbm>>
      %dma_start3A_441 = tpu.memref_squeeze %dma_start3A_440 : memref<1x8x128xi32, #tpu.memory_space<hbm>> -> memref<8x128xi32, #tpu.memory_space<hbm>>
      tpu.enqueue_dma source(%dma_start3A_441 : memref<8x128xi32, #tpu.memory_space<hbm>>) target(%dma_start3A_438 : memref<8x128xi32, #tpu.memory_space<vmem>>) target_semaphore(%run_scoped3A : memref<!tpu.dma_semaphore, #tpu.memory_space<semaphore_mem>>)
      %dma_wait3A_442 = arith.constant 8 : i32
      %dma_wait3A_443 = arith.constant 0 : i32
      %dma_wait3A_444 = tpu.memref_slice %arg6[%dma_wait3A_442, %dma_wait3A_443] : memref<24x128xi32, #tpu.memory_space<vmem>> -> memref<8x128xi32, #tpu.memory_space<vmem>>
      %dma_wait3A_445 = arith.constant 0 : i32
      %dma_wait3A_446 = tpu.memref_slice %arg3[%select_n3A_110, %mul3A_128, %dma_wait3A_445] : memref<12x64x128xi32, #tpu.memory_space<hbm>> -> memref<1x8x128xi32, #tpu.memory_space<hbm>>
      %dma_wait3A_447 = tpu.memref_squeeze %dma_wait3A_446 : memref<1x8x128xi32, #tpu.memory_space<hbm>> -> memref<8x128xi32, #tpu.memory_space<hbm>>
      %dma_wait3A_448 = arith.constant 8 : i32
      %dma_wait3A_449 = arith.constant 0 : i32
      %dma_wait3A_450 = tpu.memref_slice %arg6[%dma_wait3A_448, %dma_wait3A_449] : memref<24x128xi32, #tpu.memory_space<vmem>> -> memref<8x128xi32, #tpu.memory_space<vmem>>
      %dma_wait3A_451 = arith.constant 0 : i32
      %dma_wait3A_452 = tpu.memref_slice %arg3[%select_n3A_110, %mul3A_128, %dma_wait3A_451] : memref<12x64x128xi32, #tpu.memory_space<hbm>> -> memref<1x8x128xi32, #tpu.memory_space<hbm>>
      %dma_wait3A_453 = tpu.memref_squeeze %dma_wait3A_452 : memref<1x8x128xi32, #tpu.memory_space<hbm>> -> memref<8x128xi32, #tpu.memory_space<hbm>>
      tpu.wait_dma2 semaphore(%run_scoped3A : memref<!tpu.dma_semaphore, #tpu.memory_space<semaphore_mem>>) src(%dma_wait3A_453 : memref<8x128xi32, #tpu.memory_space<hbm>>) dst(%dma_wait3A_450 : memref<8x128xi32, #tpu.memory_space<vmem>>)
      tpu.yield
    }) : () -> ()
    %jit3A_129 = arith.constant 8 : i32
    %div3A_130 = arith.divsi %mul3A_2, %jit3A_129 : i32
    %sign3A_131 = arith.constant 0 : i32
    %sign3A_132 = arith.cmpi sgt, %mul3A_2, %sign3A_131 : i32
    %sign3A_133 = arith.extui %sign3A_132 : i1 to i32
    %sign3A_134 = arith.constant 0 : i32
    %sign3A_135 = arith.cmpi slt, %mul3A_2, %sign3A_134 : i32
    %sign3A_136 = arith.extui %sign3A_135 : i1 to i32
    %sign3A_137 = arith.subi %sign3A_133, %sign3A_136 : i32
    %sign3A_138 = arith.constant 0 : i32
    %sign3A_139 = arith.cmpi sgt, %jit3A_129, %sign3A_138 : i32
    %sign3A_140 = arith.extui %sign3A_139 : i1 to i32
    %sign3A_141 = arith.constant 0 : i32
    %sign3A_142 = arith.cmpi slt, %jit3A_129, %sign3A_141 : i32
    %sign3A_143 = arith.extui %sign3A_142 : i1 to i32
    %sign3A_144 = arith.subi %sign3A_140, %sign3A_143 : i32
    %ne3A_145 = arith.cmpi ne, %sign3A_137, %sign3A_144 : i32
    %rem3A_146 = arith.remsi %mul3A_2, %jit3A_129 : i32
    %ne3A_147 = arith.constant 0 : i32
    %ne3A_148 = arith.cmpi ne, %rem3A_146, %ne3A_147 : i32
    %and3A_149 = arith.andi %ne3A_145, %ne3A_148 : i1
    %sub3A_150 = arith.constant 1 : i32
    %sub3A_151 = arith.subi %div3A_130, %sub3A_150 : i32
    %select_n3A_152 = arith.select %and3A_149, %sub3A_151, %div3A_130 : i32
    %add3A_153 = arith.constant 2 : i32
    %add3A_154 = arith.addi %select_n3A_152, %add3A_153 : i32
    %jit3A_155 = arith.constant 8 : i32
    %div3A_156 = arith.divsi %add3A_154, %jit3A_155 : i32
    %sign3A_157 = arith.constant 0 : i32
    %sign3A_158 = arith.cmpi sgt, %add3A_154, %sign3A_157 : i32
    %sign3A_159 = arith.extui %sign3A_158 : i1 to i32
    %sign3A_160 = arith.constant 0 : i32
    %sign3A_161 = arith.cmpi slt, %add3A_154, %sign3A_160 : i32
    %sign3A_162 = arith.extui %sign3A_161 : i1 to i32
    %sign3A_163 = arith.subi %sign3A_159, %sign3A_162 : i32
    %sign3A_164 = arith.constant 0 : i32
    %sign3A_165 = arith.cmpi sgt, %jit3A_155, %sign3A_164 : i32
    %sign3A_166 = arith.extui %sign3A_165 : i1 to i32
    %sign3A_167 = arith.constant 0 : i32
    %sign3A_168 = arith.cmpi slt, %jit3A_155, %sign3A_167 : i32
    %sign3A_169 = arith.extui %sign3A_168 : i1 to i32
    %sign3A_170 = arith.subi %sign3A_166, %sign3A_169 : i32
    %ne3A_171 = arith.cmpi ne, %sign3A_163, %sign3A_170 : i32
    %rem3A_172 = arith.remsi %add3A_154, %jit3A_155 : i32
    %ne3A_173 = arith.constant 0 : i32
    %ne3A_174 = arith.cmpi ne, %rem3A_172, %ne3A_173 : i32
    %and3A_175 = arith.andi %ne3A_171, %ne3A_174 : i1
    %sub3A_176 = arith.constant 1 : i32
    %sub3A_177 = arith.subi %div3A_156, %sub3A_176 : i32
    %select_n3A_178 = arith.select %and3A_175, %sub3A_177, %div3A_156 : i32
    %jit3A_179 = arith.constant 8 : i32
    %eq3A_180 = arith.constant 0 : i32
    %eq3A_181 = arith.cmpi eq, %jit3A_179, %eq3A_180 : i32
    %jit3A_182 = arith.constant 1 : i32
    %select_n3A_183 = arith.select %eq3A_181, %jit3A_182, %jit3A_179 : i32
    %rem3A_184 = arith.remsi %add3A_154, %select_n3A_183 : i32
    %ne3A_185 = arith.constant 0 : i32
    %ne3A_186 = arith.cmpi ne, %rem3A_184, %ne3A_185 : i32
    %lt3A_187 = arith.constant 0 : i32
    %lt3A_188 = arith.cmpi slt, %rem3A_184, %lt3A_187 : i32
    %lt3A_189 = arith.constant 0 : i32
    %lt3A_190 = arith.cmpi slt, %select_n3A_183, %lt3A_189 : i32
    %ne3A_191 = arith.xori %lt3A_188, %lt3A_190 : i1
    %and3A_192 = arith.andi %ne3A_191, %ne3A_186 : i1
    %add3A_193 = arith.addi %rem3A_184, %select_n3A_183 : i32
    %select_n3A_194 = arith.select %and3A_192, %add3A_193, %rem3A_184 : i32
    %mul3A_195 = arith.constant 8 : i32
    %mul3A_196 = arith.muli %select_n3A_194, %mul3A_195 : i32
    "tpu.region"() ({
      %run_scoped3A = tpu.sem_alloc : memref<!tpu.dma_semaphore, #tpu.memory_space<semaphore_mem>>
      %dma_start3A_430 = arith.constant 16 : i32
      %dma_start3A_431 = arith.constant 0 : i32
      %dma_start3A_432 = tpu.memref_slice %arg6[%dma_start3A_430, %dma_start3A_431] : memref<24x128xi32, #tpu.memory_space<vmem>> -> memref<8x128xi32, #tpu.memory_space<vmem>>
      %dma_start3A_433 = arith.constant 0 : i32
      %dma_start3A_434 = tpu.memref_slice %arg3[%select_n3A_178, %mul3A_196, %dma_start3A_433] : memref<12x64x128xi32, #tpu.memory_space<hbm>> -> memref<1x8x128xi32, #tpu.memory_space<hbm>>
      %dma_start3A_435 = tpu.memref_squeeze %dma_start3A_434 : memref<1x8x128xi32, #tpu.memory_space<hbm>> -> memref<8x128xi32, #tpu.memory_space<hbm>>
      %dma_start3A_436 = arith.constant 16 : i32
      %dma_start3A_437 = arith.constant 0 : i32
      %dma_start3A_438 = tpu.memref_slice %arg6[%dma_start3A_436, %dma_start3A_437] : memref<24x128xi32, #tpu.memory_space<vmem>> -> memref<8x128xi32, #tpu.memory_space<vmem>>
      %dma_start3A_439 = arith.constant 0 : i32
      %dma_start3A_440 = tpu.memref_slice %arg3[%select_n3A_178, %mul3A_196, %dma_start3A_439] : memref<12x64x128xi32, #tpu.memory_space<hbm>> -> memref<1x8x128xi32, #tpu.memory_space<hbm>>
      %dma_start3A_441 = tpu.memref_squeeze %dma_start3A_440 : memref<1x8x128xi32, #tpu.memory_space<hbm>> -> memref<8x128xi32, #tpu.memory_space<hbm>>
      tpu.enqueue_dma source(%dma_start3A_441 : memref<8x128xi32, #tpu.memory_space<hbm>>) target(%dma_start3A_438 : memref<8x128xi32, #tpu.memory_space<vmem>>) target_semaphore(%run_scoped3A : memref<!tpu.dma_semaphore, #tpu.memory_space<semaphore_mem>>)
      %dma_wait3A_442 = arith.constant 16 : i32
      %dma_wait3A_443 = arith.constant 0 : i32
      %dma_wait3A_444 = tpu.memref_slice %arg6[%dma_wait3A_442, %dma_wait3A_443] : memref<24x128xi32, #tpu.memory_space<vmem>> -> memref<8x128xi32, #tpu.memory_space<vmem>>
      %dma_wait3A_445 = arith.constant 0 : i32
      %dma_wait3A_446 = tpu.memref_slice %arg3[%select_n3A_178, %mul3A_196, %dma_wait3A_445] : memref<12x64x128xi32, #tpu.memory_space<hbm>> -> memref<1x8x128xi32, #tpu.memory_space<hbm>>
      %dma_wait3A_447 = tpu.memref_squeeze %dma_wait3A_446 : memref<1x8x128xi32, #tpu.memory_space<hbm>> -> memref<8x128xi32, #tpu.memory_space<hbm>>
      %dma_wait3A_448 = arith.constant 16 : i32
      %dma_wait3A_449 = arith.constant 0 : i32
      %dma_wait3A_450 = tpu.memref_slice %arg6[%dma_wait3A_448, %dma_wait3A_449] : memref<24x128xi32, #tpu.memory_space<vmem>> -> memref<8x128xi32, #tpu.memory_space<vmem>>
      %dma_wait3A_451 = arith.constant 0 : i32
      %dma_wait3A_452 = tpu.memref_slice %arg3[%select_n3A_178, %mul3A_196, %dma_wait3A_451] : memref<12x64x128xi32, #tpu.memory_space<hbm>> -> memref<1x8x128xi32, #tpu.memory_space<hbm>>
      %dma_wait3A_453 = tpu.memref_squeeze %dma_wait3A_452 : memref<1x8x128xi32, #tpu.memory_space<hbm>> -> memref<8x128xi32, #tpu.memory_space<hbm>>
      tpu.wait_dma2 semaphore(%run_scoped3A : memref<!tpu.dma_semaphore, #tpu.memory_space<semaphore_mem>>) src(%dma_wait3A_453 : memref<8x128xi32, #tpu.memory_space<hbm>>) dst(%dma_wait3A_450 : memref<8x128xi32, #tpu.memory_space<vmem>>)
      tpu.yield
    }) : () -> ()
    "tpu.region"() ({
      %run_scoped3A = tpu.sem_alloc : memref<!tpu.dma_semaphore, #tpu.memory_space<semaphore_mem>>
      tpu.enqueue_dma source(%arg4 : memref<4x64xi32, #tpu.memory_space<hbm>>) target(%arg7 : memref<4x64xi32, #tpu.memory_space<vmem>>) target_semaphore(%run_scoped3A : memref<!tpu.dma_semaphore, #tpu.memory_space<semaphore_mem>>)
      tpu.wait_dma2 semaphore(%run_scoped3A : memref<!tpu.dma_semaphore, #tpu.memory_space<semaphore_mem>>) src(%arg4 : memref<4x64xi32, #tpu.memory_space<hbm>>) dst(%arg7 : memref<4x64xi32, #tpu.memory_space<vmem>>)
      tpu.yield
    }) : () -> ()
    %scan3A = arith.constant 0 : i32
    %scan3A_197 = arith.constant 0 : i32
    %scan3A_198 = arith.constant 24 : i32
    %scan3A_199 = arith.addi %scan3A_197, %scan3A_198 : i32
    %scan3A_200 = arith.constant 1 : i32
    scf.for %scan3A_430 = %scan3A_197 to %scan3A_199 step %scan3A_200  : i32 {
      %add3A_431 = arith.addi %mul3A_2, %scan3A_430 : i32
      %mul3A_432 = arith.constant 240 : i32
      %mul3A_433 = arith.muli %add3A_431, %mul3A_432 : i32
      %mul3A_434 = arith.constant 4 : i32
      %mul3A_435 = arith.muli %scan3A_430, %mul3A_434 : i32
      %add3A_436 = arith.constant 0 : i32
      %add3A_437 = arith.addi %mul3A_435, %add3A_436 : i32
      %get3A = arith.constant 0 : i32
      %get3A_438 = arith.index_cast %get3A : i32 to index
      %get3A_439 = arith.constant 0 : index
      %get3A_440 = tpu.vector_load %arg7[%get3A_438, %get3A_439] {strides = array<i32>} : memref<4x64xi32, #tpu.memory_space<vmem>>, vector<1x16xi32>,
      %get3A_441 = vector.shape_cast %get3A_440 : vector<1x16xi32> to vector<16xi32>
      %add3A_442 = vector.broadcast %mul3A_433 : i32 to vector<16xi32>
      %add3A_443 = arith.addi %get3A_441, %add3A_442 : vector<16xi32>
      %swap3A = arith.index_cast %add3A_437 : i32 to index
      %swap3A_444 = arith.constant 0 : index
      %swap3A_445 = tpu.vector_load %arg8[%swap3A, %swap3A_444] {strides = array<i32>} : memref<96x60xi32, #tpu.memory_space<vmem>>, vector<1x16xi32>,
      %swap3A_446 = vector.shape_cast %swap3A_445 : vector<1x16xi32> to vector<16xi32>
      %swap3A_447 = vector.shape_cast %add3A_443 : vector<16xi32> to vector<1x16xi32>
      tpu.vector_store %arg8[%swap3A, %swap3A_444], %swap3A_447 {strides = array<i32>} : memref<96x60xi32, #tpu.memory_space<vmem>>, vector<1x16xi32>,
      %get3A_448 = arith.constant 0 : i32
      %get3A_449 = arith.index_cast %get3A_448 : i32 to index
      %get3A_450 = arith.constant 16 : index
      %get3A_451 = tpu.vector_load %arg7[%get3A_449, %get3A_450] {strides = array<i32>} : memref<4x64xi32, #tpu.memory_space<vmem>>, vector<1x16xi32>,
      %get3A_452 = vector.shape_cast %get3A_451 : vector<1x16xi32> to vector<16xi32>
      %add3A_453 = vector.broadcast %mul3A_433 : i32 to vector<16xi32>
      %add3A_454 = arith.addi %get3A_452, %add3A_453 : vector<16xi32>
      %swap3A_455 = arith.index_cast %add3A_437 : i32 to index
      %swap3A_456 = arith.constant 16 : index
      %swap3A_457 = tpu.vector_load %arg8[%swap3A_455, %swap3A_456] {strides = array<i32>} : memref<96x60xi32, #tpu.memory_space<vmem>>, vector<1x16xi32>,
      %swap3A_458 = vector.shape_cast %swap3A_457 : vector<1x16xi32> to vector<16xi32>
      %swap3A_459 = vector.shape_cast %add3A_454 : vector<16xi32> to vector<1x16xi32>
      tpu.vector_store %arg8[%swap3A_455, %swap3A_456], %swap3A_459 {strides = array<i32>} : memref<96x60xi32, #tpu.memory_space<vmem>>, vector<1x16xi32>,
      %get3A_460 = arith.constant 0 : i32
      %get3A_461 = arith.index_cast %get3A_460 : i32 to index
      %get3A_462 = arith.constant 32 : index
      %get3A_463 = tpu.vector_load %arg7[%get3A_461, %get3A_462] {strides = array<i32>} : memref<4x64xi32, #tpu.memory_space<vmem>>, vector<1x16xi32>,
      %get3A_464 = vector.shape_cast %get3A_463 : vector<1x16xi32> to vector<16xi32>
      %add3A_465 = vector.broadcast %mul3A_433 : i32 to vector<16xi32>
      %add3A_466 = arith.addi %get3A_464, %add3A_465 : vector<16xi32>
      %swap3A_467 = arith.index_cast %add3A_437 : i32 to index
      %swap3A_468 = arith.constant 32 : index
      %swap3A_469 = tpu.vector_load %arg8[%swap3A_467, %swap3A_468] {strides = array<i32>} : memref<96x60xi32, #tpu.memory_space<vmem>>, vector<1x16xi32>,
      %swap3A_470 = vector.shape_cast %swap3A_469 : vector<1x16xi32> to vector<16xi32>
      %swap3A_471 = vector.shape_cast %add3A_466 : vector<16xi32> to vector<1x16xi32>
      tpu.vector_store %arg8[%swap3A_467, %swap3A_468], %swap3A_471 {strides = array<i32>} : memref<96x60xi32, #tpu.memory_space<vmem>>, vector<1x16xi32>,
      %get3A_472 = arith.constant 0 : i32
      %get3A_473 = arith.index_cast %get3A_472 : i32 to index
      %get3A_474 = arith.constant 44 : index
      %get3A_475 = tpu.vector_load %arg7[%get3A_473, %get3A_474] {strides = array<i32>} : memref<4x64xi32, #tpu.memory_space<vmem>>, vector<1x16xi32>,
      %get3A_476 = vector.shape_cast %get3A_475 : vector<1x16xi32> to vector<16xi32>
      %add3A_477 = vector.broadcast %mul3A_433 : i32 to vector<16xi32>
      %add3A_478 = arith.addi %get3A_476, %add3A_477 : vector<16xi32>
      %swap3A_479 = arith.index_cast %add3A_437 : i32 to index
      %swap3A_480 = arith.constant 44 : index
      %swap3A_481 = tpu.vector_load %arg8[%swap3A_479, %swap3A_480] {strides = array<i32>} : memref<96x60xi32, #tpu.memory_space<vmem>>, vector<1x16xi32>,
      %swap3A_482 = vector.shape_cast %swap3A_481 : vector<1x16xi32> to vector<16xi32>
      %swap3A_483 = vector.shape_cast %add3A_478 : vector<16xi32> to vector<1x16xi32>
      tpu.vector_store %arg8[%swap3A_479, %swap3A_480], %swap3A_483 {strides = array<i32>} : memref<96x60xi32, #tpu.memory_space<vmem>>, vector<1x16xi32>,
      %mul3A_484 = arith.constant 4 : i32
      %mul3A_485 = arith.muli %scan3A_430, %mul3A_484 : i32
      %add3A_486 = arith.constant 1 : i32
      %add3A_487 = arith.addi %mul3A_485, %add3A_486 : i32
      %get3A_488 = arith.constant 1 : i32
      %get3A_489 = arith.index_cast %get3A_488 : i32 to index
      %get3A_490 = arith.constant 0 : index
      %get3A_491 = tpu.vector_load %arg7[%get3A_489, %get3A_490] {strides = array<i32>} : memref<4x64xi32, #tpu.memory_space<vmem>>, vector<1x16xi32>,
      %get3A_492 = vector.shape_cast %get3A_491 : vector<1x16xi32> to vector<16xi32>
      %add3A_493 = vector.broadcast %mul3A_433 : i32 to vector<16xi32>
      %add3A_494 = arith.addi %get3A_492, %add3A_493 : vector<16xi32>
      %swap3A_495 = arith.index_cast %add3A_487 : i32 to index
      %swap3A_496 = arith.constant 0 : index
      %swap3A_497 = tpu.vector_load %arg8[%swap3A_495, %swap3A_496] {strides = array<i32>} : memref<96x60xi32, #tpu.memory_space<vmem>>, vector<1x16xi32>,
      %swap3A_498 = vector.shape_cast %swap3A_497 : vector<1x16xi32> to vector<16xi32>
      %swap3A_499 = vector.shape_cast %add3A_494 : vector<16xi32> to vector<1x16xi32>
      tpu.vector_store %arg8[%swap3A_495, %swap3A_496], %swap3A_499 {strides = array<i32>} : memref<96x60xi32, #tpu.memory_space<vmem>>, vector<1x16xi32>,
      %get3A_500 = arith.constant 1 : i32
      %get3A_501 = arith.index_cast %get3A_500 : i32 to index
      %get3A_502 = arith.constant 16 : index
      %get3A_503 = tpu.vector_load %arg7[%get3A_501, %get3A_502] {strides = array<i32>} : memref<4x64xi32, #tpu.memory_space<vmem>>, vector<1x16xi32>,
      %get3A_504 = vector.shape_cast %get3A_503 : vector<1x16xi32> to vector<16xi32>
      %add3A_505 = vector.broadcast %mul3A_433 : i32 to vector<16xi32>
      %add3A_506 = arith.addi %get3A_504, %add3A_505 : vector<16xi32>
      %swap3A_507 = arith.index_cast %add3A_487 : i32 to index
      %swap3A_508 = arith.constant 16 : index
      %swap3A_509 = tpu.vector_load %arg8[%swap3A_507, %swap3A_508] {strides = array<i32>} : memref<96x60xi32, #tpu.memory_space<vmem>>, vector<1x16xi32>,
      %swap3A_510 = vector.shape_cast %swap3A_509 : vector<1x16xi32> to vector<16xi32>
      %swap3A_511 = vector.shape_cast %add3A_506 : vector<16xi32> to vector<1x16xi32>
      tpu.vector_store %arg8[%swap3A_507, %swap3A_508], %swap3A_511 {strides = array<i32>} : memref<96x60xi32, #tpu.memory_space<vmem>>, vector<1x16xi32>,
      %get3A_512 = arith.constant 1 : i32
      %get3A_513 = arith.index_cast %get3A_512 : i32 to index
      %get3A_514 = arith.constant 32 : index
      %get3A_515 = tpu.vector_load %arg7[%get3A_513, %get3A_514] {strides = array<i32>} : memref<4x64xi32, #tpu.memory_space<vmem>>, vector<1x16xi32>,
      %get3A_516 = vector.shape_cast %get3A_515 : vector<1x16xi32> to vector<16xi32>
      %add3A_517 = vector.broadcast %mul3A_433 : i32 to vector<16xi32>
      %add3A_518 = arith.addi %get3A_516, %add3A_517 : vector<16xi32>
      %swap3A_519 = arith.index_cast %add3A_487 : i32 to index
      %swap3A_520 = arith.constant 32 : index
      %swap3A_521 = tpu.vector_load %arg8[%swap3A_519, %swap3A_520] {strides = array<i32>} : memref<96x60xi32, #tpu.memory_space<vmem>>, vector<1x16xi32>,
      %swap3A_522 = vector.shape_cast %swap3A_521 : vector<1x16xi32> to vector<16xi32>
      %swap3A_523 = vector.shape_cast %add3A_518 : vector<16xi32> to vector<1x16xi32>
      tpu.vector_store %arg8[%swap3A_519, %swap3A_520], %swap3A_523 {strides = array<i32>} : memref<96x60xi32, #tpu.memory_space<vmem>>, vector<1x16xi32>,
      %get3A_524 = arith.constant 1 : i32
      %get3A_525 = arith.index_cast %get3A_524 : i32 to index
      %get3A_526 = arith.constant 44 : index
      %get3A_527 = tpu.vector_load %arg7[%get3A_525, %get3A_526] {strides = array<i32>} : memref<4x64xi32, #tpu.memory_space<vmem>>, vector<1x16xi32>,
      %get3A_528 = vector.shape_cast %get3A_527 : vector<1x16xi32> to vector<16xi32>
      %add3A_529 = vector.broadcast %mul3A_433 : i32 to vector<16xi32>
      %add3A_530 = arith.addi %get3A_528, %add3A_529 : vector<16xi32>
      %swap3A_531 = arith.index_cast %add3A_487 : i32 to index
      %swap3A_532 = arith.constant 44 : index
      %swap3A_533 = tpu.vector_load %arg8[%swap3A_531, %swap3A_532] {strides = array<i32>} : memref<96x60xi32, #tpu.memory_space<vmem>>, vector<1x16xi32>,
      %swap3A_534 = vector.shape_cast %swap3A_533 : vector<1x16xi32> to vector<16xi32>
      %swap3A_535 = vector.shape_cast %add3A_530 : vector<16xi32> to vector<1x16xi32>
      tpu.vector_store %arg8[%swap3A_531, %swap3A_532], %swap3A_535 {strides = array<i32>} : memref<96x60xi32, #tpu.memory_space<vmem>>, vector<1x16xi32>,
      %mul3A_536 = arith.constant 4 : i32
      %mul3A_537 = arith.muli %scan3A_430, %mul3A_536 : i32
      %add3A_538 = arith.constant 2 : i32
      %add3A_539 = arith.addi %mul3A_537, %add3A_538 : i32
      %get3A_540 = arith.constant 2 : i32
      %get3A_541 = arith.index_cast %get3A_540 : i32 to index
      %get3A_542 = arith.constant 0 : index
      %get3A_543 = tpu.vector_load %arg7[%get3A_541, %get3A_542] {strides = array<i32>} : memref<4x64xi32, #tpu.memory_space<vmem>>, vector<1x16xi32>,
      %get3A_544 = vector.shape_cast %get3A_543 : vector<1x16xi32> to vector<16xi32>
      %add3A_545 = vector.broadcast %mul3A_433 : i32 to vector<16xi32>
      %add3A_546 = arith.addi %get3A_544, %add3A_545 : vector<16xi32>
      %swap3A_547 = arith.index_cast %add3A_539 : i32 to index
      %swap3A_548 = arith.constant 0 : index
      %swap3A_549 = tpu.vector_load %arg8[%swap3A_547, %swap3A_548] {strides = array<i32>} : memref<96x60xi32, #tpu.memory_space<vmem>>, vector<1x16xi32>,
      %swap3A_550 = vector.shape_cast %swap3A_549 : vector<1x16xi32> to vector<16xi32>
      %swap3A_551 = vector.shape_cast %add3A_546 : vector<16xi32> to vector<1x16xi32>
      tpu.vector_store %arg8[%swap3A_547, %swap3A_548], %swap3A_551 {strides = array<i32>} : memref<96x60xi32, #tpu.memory_space<vmem>>, vector<1x16xi32>,
      %get3A_552 = arith.constant 2 : i32
      %get3A_553 = arith.index_cast %get3A_552 : i32 to index
      %get3A_554 = arith.constant 16 : index
      %get3A_555 = tpu.vector_load %arg7[%get3A_553, %get3A_554] {strides = array<i32>} : memref<4x64xi32, #tpu.memory_space<vmem>>, vector<1x16xi32>,
      %get3A_556 = vector.shape_cast %get3A_555 : vector<1x16xi32> to vector<16xi32>
      %add3A_557 = vector.broadcast %mul3A_433 : i32 to vector<16xi32>
      %add3A_558 = arith.addi %get3A_556, %add3A_557 : vector<16xi32>
      %swap3A_559 = arith.index_cast %add3A_539 : i32 to index
      %swap3A_560 = arith.constant 16 : index
      %swap3A_561 = tpu.vector_load %arg8[%swap3A_559, %swap3A_560] {strides = array<i32>} : memref<96x60xi32, #tpu.memory_space<vmem>>, vector<1x16xi32>,
      %swap3A_562 = vector.shape_cast %swap3A_561 : vector<1x16xi32> to vector<16xi32>
      %swap3A_563 = vector.shape_cast %add3A_558 : vector<16xi32> to vector<1x16xi32>
      tpu.vector_store %arg8[%swap3A_559, %swap3A_560], %swap3A_563 {strides = array<i32>} : memref<96x60xi32, #tpu.memory_space<vmem>>, vector<1x16xi32>,
      %get3A_564 = arith.constant 2 : i32
      %get3A_565 = arith.index_cast %get3A_564 : i32 to index
      %get3A_566 = arith.constant 32 : index
      %get3A_567 = tpu.vector_load %arg7[%get3A_565, %get3A_566] {strides = array<i32>} : memref<4x64xi32, #tpu.memory_space<vmem>>, vector<1x16xi32>,
      %get3A_568 = vector.shape_cast %get3A_567 : vector<1x16xi32> to vector<16xi32>
      %add3A_569 = vector.broadcast %mul3A_433 : i32 to vector<16xi32>
      %add3A_570 = arith.addi %get3A_568, %add3A_569 : vector<16xi32>
      %swap3A_571 = arith.index_cast %add3A_539 : i32 to index
      %swap3A_572 = arith.constant 32 : index
      %swap3A_573 = tpu.vector_load %arg8[%swap3A_571, %swap3A_572] {strides = array<i32>} : memref<96x60xi32, #tpu.memory_space<vmem>>, vector<1x16xi32>,
      %swap3A_574 = vector.shape_cast %swap3A_573 : vector<1x16xi32> to vector<16xi32>
      %swap3A_575 = vector.shape_cast %add3A_570 : vector<16xi32> to vector<1x16xi32>
      tpu.vector_store %arg8[%swap3A_571, %swap3A_572], %swap3A_575 {strides = array<i32>} : memref<96x60xi32, #tpu.memory_space<vmem>>, vector<1x16xi32>,
      %get3A_576 = arith.constant 2 : i32
      %get3A_577 = arith.index_cast %get3A_576 : i32 to index
      %get3A_578 = arith.constant 44 : index
      %get3A_579 = tpu.vector_load %arg7[%get3A_577, %get3A_578] {strides = array<i32>} : memref<4x64xi32, #tpu.memory_space<vmem>>, vector<1x16xi32>,
      %get3A_580 = vector.shape_cast %get3A_579 : vector<1x16xi32> to vector<16xi32>
      %add3A_581 = vector.broadcast %mul3A_433 : i32 to vector<16xi32>
      %add3A_582 = arith.addi %get3A_580, %add3A_581 : vector<16xi32>
      %swap3A_583 = arith.index_cast %add3A_539 : i32 to index
      %swap3A_584 = arith.constant 44 : index
      %swap3A_585 = tpu.vector_load %arg8[%swap3A_583, %swap3A_584] {strides = array<i32>} : memref<96x60xi32, #tpu.memory_space<vmem>>, vector<1x16xi32>,
      %swap3A_586 = vector.shape_cast %swap3A_585 : vector<1x16xi32> to vector<16xi32>
      %swap3A_587 = vector.shape_cast %add3A_582 : vector<16xi32> to vector<1x16xi32>
      tpu.vector_store %arg8[%swap3A_583, %swap3A_584], %swap3A_587 {strides = array<i32>} : memref<96x60xi32, #tpu.memory_space<vmem>>, vector<1x16xi32>,
      %mul3A_588 = arith.constant 4 : i32
      %mul3A_589 = arith.muli %scan3A_430, %mul3A_588 : i32
      %add3A_590 = arith.constant 3 : i32
      %add3A_591 = arith.addi %mul3A_589, %add3A_590 : i32
      %get3A_592 = arith.constant 3 : i32
      %get3A_593 = arith.index_cast %get3A_592 : i32 to index
      %get3A_594 = arith.constant 0 : index
      %get3A_595 = tpu.vector_load %arg7[%get3A_593, %get3A_594] {strides = array<i32>} : memref<4x64xi32, #tpu.memory_space<vmem>>, vector<1x16xi32>,
      %get3A_596 = vector.shape_cast %get3A_595 : vector<1x16xi32> to vector<16xi32>
      %add3A_597 = vector.broadcast %mul3A_433 : i32 to vector<16xi32>
      %add3A_598 = arith.addi %get3A_596, %add3A_597 : vector<16xi32>
      %swap3A_599 = arith.index_cast %add3A_591 : i32 to index
      %swap3A_600 = arith.constant 0 : index
      %swap3A_601 = tpu.vector_load %arg8[%swap3A_599, %swap3A_600] {strides = array<i32>} : memref<96x60xi32, #tpu.memory_space<vmem>>, vector<1x16xi32>,
      %swap3A_602 = vector.shape_cast %swap3A_601 : vector<1x16xi32> to vector<16xi32>
      %swap3A_603 = vector.shape_cast %add3A_598 : vector<16xi32> to vector<1x16xi32>
      tpu.vector_store %arg8[%swap3A_599, %swap3A_600], %swap3A_603 {strides = array<i32>} : memref<96x60xi32, #tpu.memory_space<vmem>>, vector<1x16xi32>,
      %get3A_604 = arith.constant 3 : i32
      %get3A_605 = arith.index_cast %get3A_604 : i32 to index
      %get3A_606 = arith.constant 16 : index
      %get3A_607 = tpu.vector_load %arg7[%get3A_605, %get3A_606] {strides = array<i32>} : memref<4x64xi32, #tpu.memory_space<vmem>>, vector<1x16xi32>,
      %get3A_608 = vector.shape_cast %get3A_607 : vector<1x16xi32> to vector<16xi32>
      %add3A_609 = vector.broadcast %mul3A_433 : i32 to vector<16xi32>
      %add3A_610 = arith.addi %get3A_608, %add3A_609 : vector<16xi32>
      %swap3A_611 = arith.index_cast %add3A_591 : i32 to index
      %swap3A_612 = arith.constant 16 : index
      %swap3A_613 = tpu.vector_load %arg8[%swap3A_611, %swap3A_612] {strides = array<i32>} : memref<96x60xi32, #tpu.memory_space<vmem>>, vector<1x16xi32>,
      %swap3A_614 = vector.shape_cast %swap3A_613 : vector<1x16xi32> to vector<16xi32>
      %swap3A_615 = vector.shape_cast %add3A_610 : vector<16xi32> to vector<1x16xi32>
      tpu.vector_store %arg8[%swap3A_611, %swap3A_612], %swap3A_615 {strides = array<i32>} : memref<96x60xi32, #tpu.memory_space<vmem>>, vector<1x16xi32>,
      %get3A_616 = arith.constant 3 : i32
      %get3A_617 = arith.index_cast %get3A_616 : i32 to index
      %get3A_618 = arith.constant 32 : index
      %get3A_619 = tpu.vector_load %arg7[%get3A_617, %get3A_618] {strides = array<i32>} : memref<4x64xi32, #tpu.memory_space<vmem>>, vector<1x16xi32>,
      %get3A_620 = vector.shape_cast %get3A_619 : vector<1x16xi32> to vector<16xi32>
      %add3A_621 = vector.broadcast %mul3A_433 : i32 to vector<16xi32>
      %add3A_622 = arith.addi %get3A_620, %add3A_621 : vector<16xi32>
      %swap3A_623 = arith.index_cast %add3A_591 : i32 to index
      %swap3A_624 = arith.constant 32 : index
      %swap3A_625 = tpu.vector_load %arg8[%swap3A_623, %swap3A_624] {strides = array<i32>} : memref<96x60xi32, #tpu.memory_space<vmem>>, vector<1x16xi32>,
      %swap3A_626 = vector.shape_cast %swap3A_625 : vector<1x16xi32> to vector<16xi32>
      %swap3A_627 = vector.shape_cast %add3A_622 : vector<16xi32> to vector<1x16xi32>
      tpu.vector_store %arg8[%swap3A_623, %swap3A_624], %swap3A_627 {strides = array<i32>} : memref<96x60xi32, #tpu.memory_space<vmem>>, vector<1x16xi32>,
      %get3A_628 = arith.constant 3 : i32
      %get3A_629 = arith.index_cast %get3A_628 : i32 to index
      %get3A_630 = arith.constant 44 : index
      %get3A_631 = tpu.vector_load %arg7[%get3A_629, %get3A_630] {strides = array<i32>} : memref<4x64xi32, #tpu.memory_space<vmem>>, vector<1x16xi32>,
      %get3A_632 = vector.shape_cast %get3A_631 : vector<1x16xi32> to vector<16xi32>
      %add3A_633 = vector.broadcast %mul3A_433 : i32 to vector<16xi32>
      %add3A_634 = arith.addi %get3A_632, %add3A_633 : vector<16xi32>
      %swap3A_635 = arith.index_cast %add3A_591 : i32 to index
      %swap3A_636 = arith.constant 44 : index
      %swap3A_637 = tpu.vector_load %arg8[%swap3A_635, %swap3A_636] {strides = array<i32>} : memref<96x60xi32, #tpu.memory_space<vmem>>, vector<1x16xi32>,
      %swap3A_638 = vector.shape_cast %swap3A_637 : vector<1x16xi32> to vector<16xi32>
      %swap3A_639 = vector.shape_cast %add3A_634 : vector<16xi32> to vector<1x16xi32>
      tpu.vector_store %arg8[%swap3A_635, %swap3A_636], %swap3A_639 {strides = array<i32>} : memref<96x60xi32, #tpu.memory_space<vmem>>, vector<1x16xi32>,
    }
    %scan3A_201 = arith.constant 24 : i32
    %dma_start3A = arith.constant 0 : i32
    %dma_start3A_202 = arith.constant 0 : i32
    %dma_start3A_203 = tpu.memref_slice %arg6[%dma_start3A, %dma_start3A_202] : memref<24x128xi32, #tpu.memory_space<vmem>> -> memref<1x4xi32, #tpu.memory_space<vmem>>
    %dma_start3A_204 = tpu.memref_squeeze %dma_start3A_203 : memref<1x4xi32, #tpu.memory_space<vmem>> -> memref<4xi32, #tpu.memory_space<vmem>>
    %dma_start3A_205 = arith.constant 0 : i32
    %dma_start3A_206 = arith.constant 0 : i32
    %dma_start3A_207 = arith.constant 0 : i32
    %dma_start3A_208 = tpu.memref_slice %arg2[%dma_start3A_205, %dma_start3A_206, %dma_start3A_207] : memref<1248x64x128xf32, #tpu.memory_space<hbm>> -> memref<1248x64x128xf32, #tpu.memory_space<hbm>>
    tpu.enqueue_indirect_dma source(%dma_start3A_208 : memref<1248x64x128xf32, #tpu.memory_space<hbm>>) target(%arg9 : memref<4x64x128xf32, #tpu.memory_space<vmem>>) offsets(%dma_start3A_204 : memref<4xi32, #tpu.memory_space<vmem>>) semaphore(%arg11 : memref<!tpu.dma_semaphore, #tpu.memory_space<semaphore_mem>>)
    %dma_start3A_209 = arith.constant 1 : i32
    %dma_start3A_210 = arith.constant 0 : i32
    %dma_start3A_211 = tpu.memref_slice %arg6[%dma_start3A_209, %dma_start3A_210] : memref<24x128xi32, #tpu.memory_space<vmem>> -> memref<1x4xi32, #tpu.memory_space<vmem>>
    %dma_start3A_212 = tpu.memref_squeeze %dma_start3A_211 : memref<1x4xi32, #tpu.memory_space<vmem>> -> memref<4xi32, #tpu.memory_space<vmem>>
    %dma_start3A_213 = arith.constant 0 : i32
    %dma_start3A_214 = arith.constant 0 : i32
    %dma_start3A_215 = arith.constant 0 : i32
    %dma_start3A_216 = tpu.memref_slice %arg2[%dma_start3A_213, %dma_start3A_214, %dma_start3A_215] : memref<1248x64x128xf32, #tpu.memory_space<hbm>> -> memref<1248x64x128xf32, #tpu.memory_space<hbm>>
    tpu.enqueue_indirect_dma source(%dma_start3A_216 : memref<1248x64x128xf32, #tpu.memory_space<hbm>>) target(%arg10 : memref<4x64x128xf32, #tpu.memory_space<vmem>>) offsets(%dma_start3A_212 : memref<4xi32, #tpu.memory_space<vmem>>) semaphore(%arg12 : memref<!tpu.dma_semaphore, #tpu.memory_space<semaphore_mem>>)
    %dma_wait3A = arith.constant 0 : i32
    %dma_wait3A_217 = arith.constant 0 : i32
    %dma_wait3A_218 = tpu.memref_slice %arg6[%dma_wait3A, %dma_wait3A_217] : memref<24x128xi32, #tpu.memory_space<vmem>> -> memref<1x4xi32, #tpu.memory_space<vmem>>
    %dma_wait3A_219 = tpu.memref_squeeze %dma_wait3A_218 : memref<1x4xi32, #tpu.memory_space<vmem>> -> memref<4xi32, #tpu.memory_space<vmem>>
    %dma_wait3A_220 = arith.constant 0 : i32
    %dma_wait3A_221 = arith.constant 0 : i32
    %dma_wait3A_222 = arith.constant 0 : i32
    %dma_wait3A_223 = tpu.memref_slice %arg2[%dma_wait3A_220, %dma_wait3A_221, %dma_wait3A_222] : memref<1248x64x128xf32, #tpu.memory_space<hbm>> -> memref<1248x64x128xf32, #tpu.memory_space<hbm>>
    tpu.wait_indirect_dma semaphore(%arg11 : memref<!tpu.dma_semaphore, #tpu.memory_space<semaphore_mem>>) src(%dma_wait3A_223 : memref<1248x64x128xf32, #tpu.memory_space<hbm>>) dst(%arg9 : memref<4x64x128xf32, #tpu.memory_space<vmem>>)
    %dma_start3A_224 = arith.constant 0 : i32
    %dma_start3A_225 = arith.constant 0 : i32
    %dma_start3A_226 = arith.constant 0 : i32
    %dma_start3A_227 = arith.constant 0 : i32
    %dma_start3A_228 = tpu.memref_slice %arg9[%dma_start3A_224, %dma_start3A_226, %dma_start3A_227] : memref<4x64x128xf32, #tpu.memory_space<vmem>> -> memref<1x60x128xf32, #tpu.memory_space<vmem>>
    %dma_start3A_229 = tpu.memref_squeeze %dma_start3A_228 : memref<1x60x128xf32, #tpu.memory_space<vmem>> -> memref<60x128xf32, #tpu.memory_space<vmem>>
    %dma_start3A_230 = arith.constant 0 : i32
    %dma_start3A_231 = tpu.memref_slice %arg8[%dma_start3A_225, %dma_start3A_230] : memref<96x60xi32, #tpu.memory_space<vmem>> -> memref<1x60xi32, #tpu.memory_space<vmem>>
    %dma_start3A_232 = tpu.memref_squeeze %dma_start3A_231 : memref<1x60xi32, #tpu.memory_space<vmem>> -> memref<60xi32, #tpu.memory_space<vmem>>
    %dma_start3A_233 = arith.constant 0 : i32
    %dma_start3A_234 = arith.constant 0 : i32
    %dma_start3A_235 = tpu.memref_slice %arg5[%dma_start3A_233, %dma_start3A_234] : memref<184320x128xf32, #tpu.memory_space<hbm>> -> memref<184320x128xf32, #tpu.memory_space<hbm>>
    tpu.enqueue_indirect_dma source(%dma_start3A_229 : memref<60x128xf32, #tpu.memory_space<vmem>>) target(%dma_start3A_235 : memref<184320x128xf32, #tpu.memory_space<hbm>>) offsets(%dma_start3A_232 : memref<60xi32, #tpu.memory_space<vmem>>) semaphore(%arg13 : memref<!tpu.dma_semaphore, #tpu.memory_space<semaphore_mem>>)
    %dma_start3A_236 = arith.constant 1 : i32
    %dma_start3A_237 = arith.constant 1 : i32
    %dma_start3A_238 = arith.constant 0 : i32
    %dma_start3A_239 = arith.constant 0 : i32
    %dma_start3A_240 = tpu.memref_slice %arg9[%dma_start3A_236, %dma_start3A_238, %dma_start3A_239] : memref<4x64x128xf32, #tpu.memory_space<vmem>> -> memref<1x60x128xf32, #tpu.memory_space<vmem>>
    %dma_start3A_241 = tpu.memref_squeeze %dma_start3A_240 : memref<1x60x128xf32, #tpu.memory_space<vmem>> -> memref<60x128xf32, #tpu.memory_space<vmem>>
    %dma_start3A_242 = arith.constant 0 : i32
    %dma_start3A_243 = tpu.memref_slice %arg8[%dma_start3A_237, %dma_start3A_242] : memref<96x60xi32, #tpu.memory_space<vmem>> -> memref<1x60xi32, #tpu.memory_space<vmem>>
    %dma_start3A_244 = tpu.memref_squeeze %dma_start3A_243 : memref<1x60xi32, #tpu.memory_space<vmem>> -> memref<60xi32, #tpu.memory_space<vmem>>
    %dma_start3A_245 = arith.constant 0 : i32
    %dma_start3A_246 = arith.constant 0 : i32
    %dma_start3A_247 = tpu.memref_slice %arg5[%dma_start3A_245, %dma_start3A_246] : memref<184320x128xf32, #tpu.memory_space<hbm>> -> memref<184320x128xf32, #tpu.memory_space<hbm>>
    tpu.enqueue_indirect_dma source(%dma_start3A_241 : memref<60x128xf32, #tpu.memory_space<vmem>>) target(%dma_start3A_247 : memref<184320x128xf32, #tpu.memory_space<hbm>>) offsets(%dma_start3A_244 : memref<60xi32, #tpu.memory_space<vmem>>) semaphore(%arg13 : memref<!tpu.dma_semaphore, #tpu.memory_space<semaphore_mem>>)
    %dma_start3A_248 = arith.constant 2 : i32
    %dma_start3A_249 = arith.constant 2 : i32
    %dma_start3A_250 = arith.constant 0 : i32
    %dma_start3A_251 = arith.constant 0 : i32
    %dma_start3A_252 = tpu.memref_slice %arg9[%dma_start3A_248, %dma_start3A_250, %dma_start3A_251] : memref<4x64x128xf32, #tpu.memory_space<vmem>> -> memref<1x60x128xf32, #tpu.memory_space<vmem>>
    %dma_start3A_253 = tpu.memref_squeeze %dma_start3A_252 : memref<1x60x128xf32, #tpu.memory_space<vmem>> -> memref<60x128xf32, #tpu.memory_space<vmem>>
    %dma_start3A_254 = arith.constant 0 : i32
    %dma_start3A_255 = tpu.memref_slice %arg8[%dma_start3A_249, %dma_start3A_254] : memref<96x60xi32, #tpu.memory_space<vmem>> -> memref<1x60xi32, #tpu.memory_space<vmem>>
    %dma_start3A_256 = tpu.memref_squeeze %dma_start3A_255 : memref<1x60xi32, #tpu.memory_space<vmem>> -> memref<60xi32, #tpu.memory_space<vmem>>
    %dma_start3A_257 = arith.constant 0 : i32
    %dma_start3A_258 = arith.constant 0 : i32
    %dma_start3A_259 = tpu.memref_slice %arg5[%dma_start3A_257, %dma_start3A_258] : memref<184320x128xf32, #tpu.memory_space<hbm>> -> memref<184320x128xf32, #tpu.memory_space<hbm>>
    tpu.enqueue_indirect_dma source(%dma_start3A_253 : memref<60x128xf32, #tpu.memory_space<vmem>>) target(%dma_start3A_259 : memref<184320x128xf32, #tpu.memory_space<hbm>>) offsets(%dma_start3A_256 : memref<60xi32, #tpu.memory_space<vmem>>) semaphore(%arg13 : memref<!tpu.dma_semaphore, #tpu.memory_space<semaphore_mem>>)
    %dma_start3A_260 = arith.constant 3 : i32
    %dma_start3A_261 = arith.constant 3 : i32
    %dma_start3A_262 = arith.constant 0 : i32
    %dma_start3A_263 = arith.constant 0 : i32
    %dma_start3A_264 = tpu.memref_slice %arg9[%dma_start3A_260, %dma_start3A_262, %dma_start3A_263] : memref<4x64x128xf32, #tpu.memory_space<vmem>> -> memref<1x60x128xf32, #tpu.memory_space<vmem>>
    %dma_start3A_265 = tpu.memref_squeeze %dma_start3A_264 : memref<1x60x128xf32, #tpu.memory_space<vmem>> -> memref<60x128xf32, #tpu.memory_space<vmem>>
    %dma_start3A_266 = arith.constant 0 : i32
    %dma_start3A_267 = tpu.memref_slice %arg8[%dma_start3A_261, %dma_start3A_266] : memref<96x60xi32, #tpu.memory_space<vmem>> -> memref<1x60xi32, #tpu.memory_space<vmem>>
    %dma_start3A_268 = tpu.memref_squeeze %dma_start3A_267 : memref<1x60xi32, #tpu.memory_space<vmem>> -> memref<60xi32, #tpu.memory_space<vmem>>
    %dma_start3A_269 = arith.constant 0 : i32
    %dma_start3A_270 = arith.constant 0 : i32
    %dma_start3A_271 = tpu.memref_slice %arg5[%dma_start3A_269, %dma_start3A_270] : memref<184320x128xf32, #tpu.memory_space<hbm>> -> memref<184320x128xf32, #tpu.memory_space<hbm>>
    tpu.enqueue_indirect_dma source(%dma_start3A_265 : memref<60x128xf32, #tpu.memory_space<vmem>>) target(%dma_start3A_271 : memref<184320x128xf32, #tpu.memory_space<hbm>>) offsets(%dma_start3A_268 : memref<60xi32, #tpu.memory_space<vmem>>) semaphore(%arg13 : memref<!tpu.dma_semaphore, #tpu.memory_space<semaphore_mem>>)
    %scan3A_272 = arith.constant 0 : i32
    %scan3A_273 = arith.constant 0 : i32
    %scan3A_274 = arith.constant 11 : i32
    %scan3A_275 = arith.addi %scan3A_273, %scan3A_274 : i32
    %scan3A_276 = arith.constant 1 : i32
    scf.for %scan3A_430 = %scan3A_273 to %scan3A_275 step %scan3A_276  : i32 {
      %mul3A_431 = arith.constant 2 : i32
      %mul3A_432 = arith.muli %mul3A_431, %scan3A_430 : i32
      %add3A_433 = arith.constant 1 : i32
      %add3A_434 = arith.addi %mul3A_432, %add3A_433 : i32
      %sub3A_435 = arith.constant 1 : i32
      %sub3A_436 = arith.subi %add3A_434, %sub3A_435 : i32
      %mul3A_437 = arith.constant 4 : i32
      %mul3A_438 = arith.muli %sub3A_436, %mul3A_437 : i32
      %add3A_439 = arith.constant 0 : i32
      %add3A_440 = arith.addi %mul3A_438, %add3A_439 : i32
      %dma_wait3A_441 = arith.constant 0 : i32
      %dma_wait3A_442 = arith.constant 0 : i32
      %dma_wait3A_443 = arith.constant 0 : i32
      %dma_wait3A_444 = tpu.memref_slice %arg9[%dma_wait3A_441, %dma_wait3A_442, %dma_wait3A_443] : memref<4x64x128xf32, #tpu.memory_space<vmem>> -> memref<1x60x128xf32, #tpu.memory_space<vmem>>
      %dma_wait3A_445 = tpu.memref_squeeze %dma_wait3A_444 : memref<1x60x128xf32, #tpu.memory_space<vmem>> -> memref<60x128xf32, #tpu.memory_space<vmem>>
      %dma_wait3A_446 = arith.constant 0 : i32
      %dma_wait3A_447 = tpu.memref_slice %arg8[%add3A_440, %dma_wait3A_446] : memref<96x60xi32, #tpu.memory_space<vmem>> -> memref<1x60xi32, #tpu.memory_space<vmem>>
      %dma_wait3A_448 = tpu.memref_squeeze %dma_wait3A_447 : memref<1x60xi32, #tpu.memory_space<vmem>> -> memref<60xi32, #tpu.memory_space<vmem>>
      %dma_wait3A_449 = arith.constant 0 : i32
      %dma_wait3A_450 = arith.constant 0 : i32
      %dma_wait3A_451 = tpu.memref_slice %arg5[%dma_wait3A_449, %dma_wait3A_450] : memref<184320x128xf32, #tpu.memory_space<hbm>> -> memref<184320x128xf32, #tpu.memory_space<hbm>>
      tpu.wait_indirect_dma semaphore(%arg13 : memref<!tpu.dma_semaphore, #tpu.memory_space<semaphore_mem>>) src(%dma_wait3A_445 : memref<60x128xf32, #tpu.memory_space<vmem>>) dst(%dma_wait3A_451 : memref<184320x128xf32, #tpu.memory_space<hbm>>)
      %mul3A_452 = arith.constant 4 : i32
      %mul3A_453 = arith.muli %sub3A_436, %mul3A_452 : i32
      %add3A_454 = arith.constant 1 : i32
      %add3A_455 = arith.addi %mul3A_453, %add3A_454 : i32
      %dma_wait3A_456 = arith.constant 1 : i32
      %dma_wait3A_457 = arith.constant 0 : i32
      %dma_wait3A_458 = arith.constant 0 : i32
      %dma_wait3A_459 = tpu.memref_slice %arg9[%dma_wait3A_456, %dma_wait3A_457, %dma_wait3A_458] : memref<4x64x128xf32, #tpu.memory_space<vmem>> -> memref<1x60x128xf32, #tpu.memory_space<vmem>>
      %dma_wait3A_460 = tpu.memref_squeeze %dma_wait3A_459 : memref<1x60x128xf32, #tpu.memory_space<vmem>> -> memref<60x128xf32, #tpu.memory_space<vmem>>
      %dma_wait3A_461 = arith.constant 0 : i32
      %dma_wait3A_462 = tpu.memref_slice %arg8[%add3A_455, %dma_wait3A_461] : memref<96x60xi32, #tpu.memory_space<vmem>> -> memref<1x60xi32, #tpu.memory_space<vmem>>
      %dma_wait3A_463 = tpu.memref_squeeze %dma_wait3A_462 : memref<1x60xi32, #tpu.memory_space<vmem>> -> memref<60xi32, #tpu.memory_space<vmem>>
      %dma_wait3A_464 = arith.constant 0 : i32
      %dma_wait3A_465 = arith.constant 0 : i32
      %dma_wait3A_466 = tpu.memref_slice %arg5[%dma_wait3A_464, %dma_wait3A_465] : memref<184320x128xf32, #tpu.memory_space<hbm>> -> memref<184320x128xf32, #tpu.memory_space<hbm>>
      tpu.wait_indirect_dma semaphore(%arg13 : memref<!tpu.dma_semaphore, #tpu.memory_space<semaphore_mem>>) src(%dma_wait3A_460 : memref<60x128xf32, #tpu.memory_space<vmem>>) dst(%dma_wait3A_466 : memref<184320x128xf32, #tpu.memory_space<hbm>>)
      %mul3A_467 = arith.constant 4 : i32
      %mul3A_468 = arith.muli %sub3A_436, %mul3A_467 : i32
      %add3A_469 = arith.constant 2 : i32
      %add3A_470 = arith.addi %mul3A_468, %add3A_469 : i32
      %dma_wait3A_471 = arith.constant 2 : i32
      %dma_wait3A_472 = arith.constant 0 : i32
      %dma_wait3A_473 = arith.constant 0 : i32
      %dma_wait3A_474 = tpu.memref_slice %arg9[%dma_wait3A_471, %dma_wait3A_472, %dma_wait3A_473] : memref<4x64x128xf32, #tpu.memory_space<vmem>> -> memref<1x60x128xf32, #tpu.memory_space<vmem>>
      %dma_wait3A_475 = tpu.memref_squeeze %dma_wait3A_474 : memref<1x60x128xf32, #tpu.memory_space<vmem>> -> memref<60x128xf32, #tpu.memory_space<vmem>>
      %dma_wait3A_476 = arith.constant 0 : i32
      %dma_wait3A_477 = tpu.memref_slice %arg8[%add3A_470, %dma_wait3A_476] : memref<96x60xi32, #tpu.memory_space<vmem>> -> memref<1x60xi32, #tpu.memory_space<vmem>>
      %dma_wait3A_478 = tpu.memref_squeeze %dma_wait3A_477 : memref<1x60xi32, #tpu.memory_space<vmem>> -> memref<60xi32, #tpu.memory_space<vmem>>
      %dma_wait3A_479 = arith.constant 0 : i32
      %dma_wait3A_480 = arith.constant 0 : i32
      %dma_wait3A_481 = tpu.memref_slice %arg5[%dma_wait3A_479, %dma_wait3A_480] : memref<184320x128xf32, #tpu.memory_space<hbm>> -> memref<184320x128xf32, #tpu.memory_space<hbm>>
      tpu.wait_indirect_dma semaphore(%arg13 : memref<!tpu.dma_semaphore, #tpu.memory_space<semaphore_mem>>) src(%dma_wait3A_475 : memref<60x128xf32, #tpu.memory_space<vmem>>) dst(%dma_wait3A_481 : memref<184320x128xf32, #tpu.memory_space<hbm>>)
      %mul3A_482 = arith.constant 4 : i32
      %mul3A_483 = arith.muli %sub3A_436, %mul3A_482 : i32
      %add3A_484 = arith.constant 3 : i32
      %add3A_485 = arith.addi %mul3A_483, %add3A_484 : i32
      %dma_wait3A_486 = arith.constant 3 : i32
      %dma_wait3A_487 = arith.constant 0 : i32
      %dma_wait3A_488 = arith.constant 0 : i32
      %dma_wait3A_489 = tpu.memref_slice %arg9[%dma_wait3A_486, %dma_wait3A_487, %dma_wait3A_488] : memref<4x64x128xf32, #tpu.memory_space<vmem>> -> memref<1x60x128xf32, #tpu.memory_space<vmem>>
      %dma_wait3A_490 = tpu.memref_squeeze %dma_wait3A_489 : memref<1x60x128xf32, #tpu.memory_space<vmem>> -> memref<60x128xf32, #tpu.memory_space<vmem>>
      %dma_wait3A_491 = arith.constant 0 : i32
      %dma_wait3A_492 = tpu.memref_slice %arg8[%add3A_485, %dma_wait3A_491] : memref<96x60xi32, #tpu.memory_space<vmem>> -> memref<1x60xi32, #tpu.memory_space<vmem>>
      %dma_wait3A_493 = tpu.memref_squeeze %dma_wait3A_492 : memref<1x60xi32, #tpu.memory_space<vmem>> -> memref<60xi32, #tpu.memory_space<vmem>>
      %dma_wait3A_494 = arith.constant 0 : i32
      %dma_wait3A_495 = arith.constant 0 : i32
      %dma_wait3A_496 = tpu.memref_slice %arg5[%dma_wait3A_494, %dma_wait3A_495] : memref<184320x128xf32, #tpu.memory_space<hbm>> -> memref<184320x128xf32, #tpu.memory_space<hbm>>
      tpu.wait_indirect_dma semaphore(%arg13 : memref<!tpu.dma_semaphore, #tpu.memory_space<semaphore_mem>>) src(%dma_wait3A_490 : memref<60x128xf32, #tpu.memory_space<vmem>>) dst(%dma_wait3A_496 : memref<184320x128xf32, #tpu.memory_space<hbm>>)
      %add3A_497 = arith.constant 1 : i32
      %add3A_498 = arith.addi %add3A_434, %add3A_497 : i32
      %dma_start3A_499 = arith.constant 0 : i32
      %dma_start3A_500 = tpu.memref_slice %arg6[%add3A_498, %dma_start3A_499] : memref<24x128xi32, #tpu.memory_space<vmem>> -> memref<1x4xi32, #tpu.memory_space<vmem>>
      %dma_start3A_501 = tpu.memref_squeeze %dma_start3A_500 : memref<1x4xi32, #tpu.memory_space<vmem>> -> memref<4xi32, #tpu.memory_space<vmem>>
      %dma_start3A_502 = arith.constant 0 : i32
      %dma_start3A_503 = arith.constant 0 : i32
      %dma_start3A_504 = arith.constant 0 : i32
      %dma_start3A_505 = tpu.memref_slice %arg2[%dma_start3A_502, %dma_start3A_503, %dma_start3A_504] : memref<1248x64x128xf32, #tpu.memory_space<hbm>> -> memref<1248x64x128xf32, #tpu.memory_space<hbm>>
      tpu.enqueue_indirect_dma source(%dma_start3A_505 : memref<1248x64x128xf32, #tpu.memory_space<hbm>>) target(%arg9 : memref<4x64x128xf32, #tpu.memory_space<vmem>>) offsets(%dma_start3A_501 : memref<4xi32, #tpu.memory_space<vmem>>) semaphore(%arg11 : memref<!tpu.dma_semaphore, #tpu.memory_space<semaphore_mem>>)
      %dma_wait3A_506 = arith.constant 0 : i32
      %dma_wait3A_507 = tpu.memref_slice %arg6[%add3A_434, %dma_wait3A_506] : memref<24x128xi32, #tpu.memory_space<vmem>> -> memref<1x4xi32, #tpu.memory_space<vmem>>
      %dma_wait3A_508 = tpu.memref_squeeze %dma_wait3A_507 : memref<1x4xi32, #tpu.memory_space<vmem>> -> memref<4xi32, #tpu.memory_space<vmem>>
      %dma_wait3A_509 = arith.constant 0 : i32
      %dma_wait3A_510 = arith.constant 0 : i32
      %dma_wait3A_511 = arith.constant 0 : i32
      %dma_wait3A_512 = tpu.memref_slice %arg2[%dma_wait3A_509, %dma_wait3A_510, %dma_wait3A_511] : memref<1248x64x128xf32, #tpu.memory_space<hbm>> -> memref<1248x64x128xf32, #tpu.memory_space<hbm>>
      tpu.wait_indirect_dma semaphore(%arg12 : memref<!tpu.dma_semaphore, #tpu.memory_space<semaphore_mem>>) src(%dma_wait3A_512 : memref<1248x64x128xf32, #tpu.memory_space<hbm>>) dst(%arg10 : memref<4x64x128xf32, #tpu.memory_space<vmem>>)
      %mul3A_513 = arith.constant 4 : i32
      %mul3A_514 = arith.muli %add3A_434, %mul3A_513 : i32
      %add3A_515 = arith.constant 0 : i32
      %add3A_516 = arith.addi %mul3A_514, %add3A_515 : i32
      %dma_start3A_517 = arith.constant 0 : i32
      %dma_start3A_518 = arith.constant 0 : i32
      %dma_start3A_519 = arith.constant 0 : i32
      %dma_start3A_520 = tpu.memref_slice %arg10[%dma_start3A_517, %dma_start3A_518, %dma_start3A_519] : memref<4x64x128xf32, #tpu.memory_space<vmem>> -> memref<1x60x128xf32, #tpu.memory_space<vmem>>
      %dma_start3A_521 = tpu.memref_squeeze %dma_start3A_520 : memref<1x60x128xf32, #tpu.memory_space<vmem>> -> memref<60x128xf32, #tpu.memory_space<vmem>>
      %dma_start3A_522 = arith.constant 0 : i32
      %dma_start3A_523 = tpu.memref_slice %arg8[%add3A_516, %dma_start3A_522] : memref<96x60xi32, #tpu.memory_space<vmem>> -> memref<1x60xi32, #tpu.memory_space<vmem>>
      %dma_start3A_524 = tpu.memref_squeeze %dma_start3A_523 : memref<1x60xi32, #tpu.memory_space<vmem>> -> memref<60xi32, #tpu.memory_space<vmem>>
      %dma_start3A_525 = arith.constant 0 : i32
      %dma_start3A_526 = arith.constant 0 : i32
      %dma_start3A_527 = tpu.memref_slice %arg5[%dma_start3A_525, %dma_start3A_526] : memref<184320x128xf32, #tpu.memory_space<hbm>> -> memref<184320x128xf32, #tpu.memory_space<hbm>>
      tpu.enqueue_indirect_dma source(%dma_start3A_521 : memref<60x128xf32, #tpu.memory_space<vmem>>) target(%dma_start3A_527 : memref<184320x128xf32, #tpu.memory_space<hbm>>) offsets(%dma_start3A_524 : memref<60xi32, #tpu.memory_space<vmem>>) semaphore(%arg14 : memref<!tpu.dma_semaphore, #tpu.memory_space<semaphore_mem>>)
      %mul3A_528 = arith.constant 4 : i32
      %mul3A_529 = arith.muli %add3A_434, %mul3A_528 : i32
      %add3A_530 = arith.constant 1 : i32
      %add3A_531 = arith.addi %mul3A_529, %add3A_530 : i32
      %dma_start3A_532 = arith.constant 1 : i32
      %dma_start3A_533 = arith.constant 0 : i32
      %dma_start3A_534 = arith.constant 0 : i32
      %dma_start3A_535 = tpu.memref_slice %arg10[%dma_start3A_532, %dma_start3A_533, %dma_start3A_534] : memref<4x64x128xf32, #tpu.memory_space<vmem>> -> memref<1x60x128xf32, #tpu.memory_space<vmem>>
      %dma_start3A_536 = tpu.memref_squeeze %dma_start3A_535 : memref<1x60x128xf32, #tpu.memory_space<vmem>> -> memref<60x128xf32, #tpu.memory_space<vmem>>
      %dma_start3A_537 = arith.constant 0 : i32
      %dma_start3A_538 = tpu.memref_slice %arg8[%add3A_531, %dma_start3A_537] : memref<96x60xi32, #tpu.memory_space<vmem>> -> memref<1x60xi32, #tpu.memory_space<vmem>>
      %dma_start3A_539 = tpu.memref_squeeze %dma_start3A_538 : memref<1x60xi32, #tpu.memory_space<vmem>> -> memref<60xi32, #tpu.memory_space<vmem>>
      %dma_start3A_540 = arith.constant 0 : i32
      %dma_start3A_541 = arith.constant 0 : i32
      %dma_start3A_542 = tpu.memref_slice %arg5[%dma_start3A_540, %dma_start3A_541] : memref<184320x128xf32, #tpu.memory_space<hbm>> -> memref<184320x128xf32, #tpu.memory_space<hbm>>
      tpu.enqueue_indirect_dma source(%dma_start3A_536 : memref<60x128xf32, #tpu.memory_space<vmem>>) target(%dma_start3A_542 : memref<184320x128xf32, #tpu.memory_space<hbm>>) offsets(%dma_start3A_539 : memref<60xi32, #tpu.memory_space<vmem>>) semaphore(%arg14 : memref<!tpu.dma_semaphore, #tpu.memory_space<semaphore_mem>>)
      %mul3A_543 = arith.constant 4 : i32
      %mul3A_544 = arith.muli %add3A_434, %mul3A_543 : i32
      %add3A_545 = arith.constant 2 : i32
      %add3A_546 = arith.addi %mul3A_544, %add3A_545 : i32
      %dma_start3A_547 = arith.constant 2 : i32
      %dma_start3A_548 = arith.constant 0 : i32
      %dma_start3A_549 = arith.constant 0 : i32
      %dma_start3A_550 = tpu.memref_slice %arg10[%dma_start3A_547, %dma_start3A_548, %dma_start3A_549] : memref<4x64x128xf32, #tpu.memory_space<vmem>> -> memref<1x60x128xf32, #tpu.memory_space<vmem>>
      %dma_start3A_551 = tpu.memref_squeeze %dma_start3A_550 : memref<1x60x128xf32, #tpu.memory_space<vmem>> -> memref<60x128xf32, #tpu.memory_space<vmem>>
      %dma_start3A_552 = arith.constant 0 : i32
      %dma_start3A_553 = tpu.memref_slice %arg8[%add3A_546, %dma_start3A_552] : memref<96x60xi32, #tpu.memory_space<vmem>> -> memref<1x60xi32, #tpu.memory_space<vmem>>
      %dma_start3A_554 = tpu.memref_squeeze %dma_start3A_553 : memref<1x60xi32, #tpu.memory_space<vmem>> -> memref<60xi32, #tpu.memory_space<vmem>>
      %dma_start3A_555 = arith.constant 0 : i32
      %dma_start3A_556 = arith.constant 0 : i32
      %dma_start3A_557 = tpu.memref_slice %arg5[%dma_start3A_555, %dma_start3A_556] : memref<184320x128xf32, #tpu.memory_space<hbm>> -> memref<184320x128xf32, #tpu.memory_space<hbm>>
      tpu.enqueue_indirect_dma source(%dma_start3A_551 : memref<60x128xf32, #tpu.memory_space<vmem>>) target(%dma_start3A_557 : memref<184320x128xf32, #tpu.memory_space<hbm>>) offsets(%dma_start3A_554 : memref<60xi32, #tpu.memory_space<vmem>>) semaphore(%arg14 : memref<!tpu.dma_semaphore, #tpu.memory_space<semaphore_mem>>)
      %mul3A_558 = arith.constant 4 : i32
      %mul3A_559 = arith.muli %add3A_434, %mul3A_558 : i32
      %add3A_560 = arith.constant 3 : i32
      %add3A_561 = arith.addi %mul3A_559, %add3A_560 : i32
      %dma_start3A_562 = arith.constant 3 : i32
      %dma_start3A_563 = arith.constant 0 : i32
      %dma_start3A_564 = arith.constant 0 : i32
      %dma_start3A_565 = tpu.memref_slice %arg10[%dma_start3A_562, %dma_start3A_563, %dma_start3A_564] : memref<4x64x128xf32, #tpu.memory_space<vmem>> -> memref<1x60x128xf32, #tpu.memory_space<vmem>>
      %dma_start3A_566 = tpu.memref_squeeze %dma_start3A_565 : memref<1x60x128xf32, #tpu.memory_space<vmem>> -> memref<60x128xf32, #tpu.memory_space<vmem>>
      %dma_start3A_567 = arith.constant 0 : i32
      %dma_start3A_568 = tpu.memref_slice %arg8[%add3A_561, %dma_start3A_567] : memref<96x60xi32, #tpu.memory_space<vmem>> -> memref<1x60xi32, #tpu.memory_space<vmem>>
      %dma_start3A_569 = tpu.memref_squeeze %dma_start3A_568 : memref<1x60xi32, #tpu.memory_space<vmem>> -> memref<60xi32, #tpu.memory_space<vmem>>
      %dma_start3A_570 = arith.constant 0 : i32
      %dma_start3A_571 = arith.constant 0 : i32
      %dma_start3A_572 = tpu.memref_slice %arg5[%dma_start3A_570, %dma_start3A_571] : memref<184320x128xf32, #tpu.memory_space<hbm>> -> memref<184320x128xf32, #tpu.memory_space<hbm>>
      tpu.enqueue_indirect_dma source(%dma_start3A_566 : memref<60x128xf32, #tpu.memory_space<vmem>>) target(%dma_start3A_572 : memref<184320x128xf32, #tpu.memory_space<hbm>>) offsets(%dma_start3A_569 : memref<60xi32, #tpu.memory_space<vmem>>) semaphore(%arg14 : memref<!tpu.dma_semaphore, #tpu.memory_space<semaphore_mem>>)
      %add3A_573 = arith.constant 1 : i32
      %add3A_574 = arith.addi %add3A_434, %add3A_573 : i32
      %sub3A_575 = arith.constant 1 : i32
      %sub3A_576 = arith.subi %add3A_574, %sub3A_575 : i32
      %mul3A_577 = arith.constant 4 : i32
      %mul3A_578 = arith.muli %sub3A_576, %mul3A_577 : i32
      %add3A_579 = arith.constant 0 : i32
      %add3A_580 = arith.addi %mul3A_578, %add3A_579 : i32
      %dma_wait3A_581 = arith.constant 0 : i32
      %dma_wait3A_582 = arith.constant 0 : i32
      %dma_wait3A_583 = arith.constant 0 : i32
      %dma_wait3A_584 = tpu.memref_slice %arg10[%dma_wait3A_581, %dma_wait3A_582, %dma_wait3A_583] : memref<4x64x128xf32, #tpu.memory_space<vmem>> -> memref<1x60x128xf32, #tpu.memory_space<vmem>>
      %dma_wait3A_585 = tpu.memref_squeeze %dma_wait3A_584 : memref<1x60x128xf32, #tpu.memory_space<vmem>> -> memref<60x128xf32, #tpu.memory_space<vmem>>
      %dma_wait3A_586 = arith.constant 0 : i32
      %dma_wait3A_587 = tpu.memref_slice %arg8[%add3A_580, %dma_wait3A_586] : memref<96x60xi32, #tpu.memory_space<vmem>> -> memref<1x60xi32, #tpu.memory_space<vmem>>
      %dma_wait3A_588 = tpu.memref_squeeze %dma_wait3A_587 : memref<1x60xi32, #tpu.memory_space<vmem>> -> memref<60xi32, #tpu.memory_space<vmem>>
      %dma_wait3A_589 = arith.constant 0 : i32
      %dma_wait3A_590 = arith.constant 0 : i32
      %dma_wait3A_591 = tpu.memref_slice %arg5[%dma_wait3A_589, %dma_wait3A_590] : memref<184320x128xf32, #tpu.memory_space<hbm>> -> memref<184320x128xf32, #tpu.memory_space<hbm>>
      tpu.wait_indirect_dma semaphore(%arg14 : memref<!tpu.dma_semaphore, #tpu.memory_space<semaphore_mem>>) src(%dma_wait3A_585 : memref<60x128xf32, #tpu.memory_space<vmem>>) dst(%dma_wait3A_591 : memref<184320x128xf32, #tpu.memory_space<hbm>>)
      %mul3A_592 = arith.constant 4 : i32
      %mul3A_593 = arith.muli %sub3A_576, %mul3A_592 : i32
      %add3A_594 = arith.constant 1 : i32
      %add3A_595 = arith.addi %mul3A_593, %add3A_594 : i32
      %dma_wait3A_596 = arith.constant 1 : i32
      %dma_wait3A_597 = arith.constant 0 : i32
      %dma_wait3A_598 = arith.constant 0 : i32
      %dma_wait3A_599 = tpu.memref_slice %arg10[%dma_wait3A_596, %dma_wait3A_597, %dma_wait3A_598] : memref<4x64x128xf32, #tpu.memory_space<vmem>> -> memref<1x60x128xf32, #tpu.memory_space<vmem>>
      %dma_wait3A_600 = tpu.memref_squeeze %dma_wait3A_599 : memref<1x60x128xf32, #tpu.memory_space<vmem>> -> memref<60x128xf32, #tpu.memory_space<vmem>>
      %dma_wait3A_601 = arith.constant 0 : i32
      %dma_wait3A_602 = tpu.memref_slice %arg8[%add3A_595, %dma_wait3A_601] : memref<96x60xi32, #tpu.memory_space<vmem>> -> memref<1x60xi32, #tpu.memory_space<vmem>>
      %dma_wait3A_603 = tpu.memref_squeeze %dma_wait3A_602 : memref<1x60xi32, #tpu.memory_space<vmem>> -> memref<60xi32, #tpu.memory_space<vmem>>
      %dma_wait3A_604 = arith.constant 0 : i32
      %dma_wait3A_605 = arith.constant 0 : i32
      %dma_wait3A_606 = tpu.memref_slice %arg5[%dma_wait3A_604, %dma_wait3A_605] : memref<184320x128xf32, #tpu.memory_space<hbm>> -> memref<184320x128xf32, #tpu.memory_space<hbm>>
      tpu.wait_indirect_dma semaphore(%arg14 : memref<!tpu.dma_semaphore, #tpu.memory_space<semaphore_mem>>) src(%dma_wait3A_600 : memref<60x128xf32, #tpu.memory_space<vmem>>) dst(%dma_wait3A_606 : memref<184320x128xf32, #tpu.memory_space<hbm>>)
      %mul3A_607 = arith.constant 4 : i32
      %mul3A_608 = arith.muli %sub3A_576, %mul3A_607 : i32
      %add3A_609 = arith.constant 2 : i32
      %add3A_610 = arith.addi %mul3A_608, %add3A_609 : i32
      %dma_wait3A_611 = arith.constant 2 : i32
      %dma_wait3A_612 = arith.constant 0 : i32
      %dma_wait3A_613 = arith.constant 0 : i32
      %dma_wait3A_614 = tpu.memref_slice %arg10[%dma_wait3A_611, %dma_wait3A_612, %dma_wait3A_613] : memref<4x64x128xf32, #tpu.memory_space<vmem>> -> memref<1x60x128xf32, #tpu.memory_space<vmem>>
      %dma_wait3A_615 = tpu.memref_squeeze %dma_wait3A_614 : memref<1x60x128xf32, #tpu.memory_space<vmem>> -> memref<60x128xf32, #tpu.memory_space<vmem>>
      %dma_wait3A_616 = arith.constant 0 : i32
      %dma_wait3A_617 = tpu.memref_slice %arg8[%add3A_610, %dma_wait3A_616] : memref<96x60xi32, #tpu.memory_space<vmem>> -> memref<1x60xi32, #tpu.memory_space<vmem>>
      %dma_wait3A_618 = tpu.memref_squeeze %dma_wait3A_617 : memref<1x60xi32, #tpu.memory_space<vmem>> -> memref<60xi32, #tpu.memory_space<vmem>>
      %dma_wait3A_619 = arith.constant 0 : i32
      %dma_wait3A_620 = arith.constant 0 : i32
      %dma_wait3A_621 = tpu.memref_slice %arg5[%dma_wait3A_619, %dma_wait3A_620] : memref<184320x128xf32, #tpu.memory_space<hbm>> -> memref<184320x128xf32, #tpu.memory_space<hbm>>
      tpu.wait_indirect_dma semaphore(%arg14 : memref<!tpu.dma_semaphore, #tpu.memory_space<semaphore_mem>>) src(%dma_wait3A_615 : memref<60x128xf32, #tpu.memory_space<vmem>>) dst(%dma_wait3A_621 : memref<184320x128xf32, #tpu.memory_space<hbm>>)
      %mul3A_622 = arith.constant 4 : i32
      %mul3A_623 = arith.muli %sub3A_576, %mul3A_622 : i32
      %add3A_624 = arith.constant 3 : i32
      %add3A_625 = arith.addi %mul3A_623, %add3A_624 : i32
      %dma_wait3A_626 = arith.constant 3 : i32
      %dma_wait3A_627 = arith.constant 0 : i32
      %dma_wait3A_628 = arith.constant 0 : i32
      %dma_wait3A_629 = tpu.memref_slice %arg10[%dma_wait3A_626, %dma_wait3A_627, %dma_wait3A_628] : memref<4x64x128xf32, #tpu.memory_space<vmem>> -> memref<1x60x128xf32, #tpu.memory_space<vmem>>
      %dma_wait3A_630 = tpu.memref_squeeze %dma_wait3A_629 : memref<1x60x128xf32, #tpu.memory_space<vmem>> -> memref<60x128xf32, #tpu.memory_space<vmem>>
      %dma_wait3A_631 = arith.constant 0 : i32
      %dma_wait3A_632 = tpu.memref_slice %arg8[%add3A_625, %dma_wait3A_631] : memref<96x60xi32, #tpu.memory_space<vmem>> -> memref<1x60xi32, #tpu.memory_space<vmem>>
      %dma_wait3A_633 = tpu.memref_squeeze %dma_wait3A_632 : memref<1x60xi32, #tpu.memory_space<vmem>> -> memref<60xi32, #tpu.memory_space<vmem>>
      %dma_wait3A_634 = arith.constant 0 : i32
      %dma_wait3A_635 = arith.constant 0 : i32
      %dma_wait3A_636 = tpu.memref_slice %arg5[%dma_wait3A_634, %dma_wait3A_635] : memref<184320x128xf32, #tpu.memory_space<hbm>> -> memref<184320x128xf32, #tpu.memory_space<hbm>>
      tpu.wait_indirect_dma semaphore(%arg14 : memref<!tpu.dma_semaphore, #tpu.memory_space<semaphore_mem>>) src(%dma_wait3A_630 : memref<60x128xf32, #tpu.memory_space<vmem>>) dst(%dma_wait3A_636 : memref<184320x128xf32, #tpu.memory_space<hbm>>)
      %add3A_637 = arith.constant 1 : i32
      %add3A_638 = arith.addi %add3A_574, %add3A_637 : i32
      %dma_start3A_639 = arith.constant 0 : i32
      %dma_start3A_640 = tpu.memref_slice %arg6[%add3A_638, %dma_start3A_639] : memref<24x128xi32, #tpu.memory_space<vmem>> -> memref<1x4xi32, #tpu.memory_space<vmem>>
      %dma_start3A_641 = tpu.memref_squeeze %dma_start3A_640 : memref<1x4xi32, #tpu.memory_space<vmem>> -> memref<4xi32, #tpu.memory_space<vmem>>
      %dma_start3A_642 = arith.constant 0 : i32
      %dma_start3A_643 = arith.constant 0 : i32
      %dma_start3A_644 = arith.constant 0 : i32
      %dma_start3A_645 = tpu.memref_slice %arg2[%dma_start3A_642, %dma_start3A_643, %dma_start3A_644] : memref<1248x64x128xf32, #tpu.memory_space<hbm>> -> memref<1248x64x128xf32, #tpu.memory_space<hbm>>
      tpu.enqueue_indirect_dma source(%dma_start3A_645 : memref<1248x64x128xf32, #tpu.memory_space<hbm>>) target(%arg10 : memref<4x64x128xf32, #tpu.memory_space<vmem>>) offsets(%dma_start3A_641 : memref<4xi32, #tpu.memory_space<vmem>>) semaphore(%arg12 : memref<!tpu.dma_semaphore, #tpu.memory_space<semaphore_mem>>)
      %dma_wait3A_646 = arith.constant 0 : i32
      %dma_wait3A_647 = tpu.memref_slice %arg6[%add3A_574, %dma_wait3A_646] : memref<24x128xi32, #tpu.memory_space<vmem>> -> memref<1x4xi32, #tpu.memory_space<vmem>>
      %dma_wait3A_648 = tpu.memref_squeeze %dma_wait3A_647 : memref<1x4xi32, #tpu.memory_space<vmem>> -> memref<4xi32, #tpu.memory_space<vmem>>
      %dma_wait3A_649 = arith.constant 0 : i32
      %dma_wait3A_650 = arith.constant 0 : i32
      %dma_wait3A_651 = arith.constant 0 : i32
      %dma_wait3A_652 = tpu.memref_slice %arg2[%dma_wait3A_649, %dma_wait3A_650, %dma_wait3A_651] : memref<1248x64x128xf32, #tpu.memory_space<hbm>> -> memref<1248x64x128xf32, #tpu.memory_space<hbm>>
      tpu.wait_indirect_dma semaphore(%arg11 : memref<!tpu.dma_semaphore, #tpu.memory_space<semaphore_mem>>) src(%dma_wait3A_652 : memref<1248x64x128xf32, #tpu.memory_space<hbm>>) dst(%arg9 : memref<4x64x128xf32, #tpu.memory_space<vmem>>)
      %mul3A_653 = arith.constant 4 : i32
      %mul3A_654 = arith.muli %add3A_574, %mul3A_653 : i32
      %add3A_655 = arith.constant 0 : i32
      %add3A_656 = arith.addi %mul3A_654, %add3A_655 : i32
      %dma_start3A_657 = arith.constant 0 : i32
      %dma_start3A_658 = arith.constant 0 : i32
      %dma_start3A_659 = arith.constant 0 : i32
      %dma_start3A_660 = tpu.memref_slice %arg9[%dma_start3A_657, %dma_start3A_658, %dma_start3A_659] : memref<4x64x128xf32, #tpu.memory_space<vmem>> -> memref<1x60x128xf32, #tpu.memory_space<vmem>>
      %dma_start3A_661 = tpu.memref_squeeze %dma_start3A_660 : memref<1x60x128xf32, #tpu.memory_space<vmem>> -> memref<60x128xf32, #tpu.memory_space<vmem>>
      %dma_start3A_662 = arith.constant 0 : i32
      %dma_start3A_663 = tpu.memref_slice %arg8[%add3A_656, %dma_start3A_662] : memref<96x60xi32, #tpu.memory_space<vmem>> -> memref<1x60xi32, #tpu.memory_space<vmem>>
      %dma_start3A_664 = tpu.memref_squeeze %dma_start3A_663 : memref<1x60xi32, #tpu.memory_space<vmem>> -> memref<60xi32, #tpu.memory_space<vmem>>
      %dma_start3A_665 = arith.constant 0 : i32
      %dma_start3A_666 = arith.constant 0 : i32
      %dma_start3A_667 = tpu.memref_slice %arg5[%dma_start3A_665, %dma_start3A_666] : memref<184320x128xf32, #tpu.memory_space<hbm>> -> memref<184320x128xf32, #tpu.memory_space<hbm>>
      tpu.enqueue_indirect_dma source(%dma_start3A_661 : memref<60x128xf32, #tpu.memory_space<vmem>>) target(%dma_start3A_667 : memref<184320x128xf32, #tpu.memory_space<hbm>>) offsets(%dma_start3A_664 : memref<60xi32, #tpu.memory_space<vmem>>) semaphore(%arg13 : memref<!tpu.dma_semaphore, #tpu.memory_space<semaphore_mem>>)
      %mul3A_668 = arith.constant 4 : i32
      %mul3A_669 = arith.muli %add3A_574, %mul3A_668 : i32
      %add3A_670 = arith.constant 1 : i32
      %add3A_671 = arith.addi %mul3A_669, %add3A_670 : i32
      %dma_start3A_672 = arith.constant 1 : i32
      %dma_start3A_673 = arith.constant 0 : i32
      %dma_start3A_674 = arith.constant 0 : i32
      %dma_start3A_675 = tpu.memref_slice %arg9[%dma_start3A_672, %dma_start3A_673, %dma_start3A_674] : memref<4x64x128xf32, #tpu.memory_space<vmem>> -> memref<1x60x128xf32, #tpu.memory_space<vmem>>
      %dma_start3A_676 = tpu.memref_squeeze %dma_start3A_675 : memref<1x60x128xf32, #tpu.memory_space<vmem>> -> memref<60x128xf32, #tpu.memory_space<vmem>>
      %dma_start3A_677 = arith.constant 0 : i32
      %dma_start3A_678 = tpu.memref_slice %arg8[%add3A_671, %dma_start3A_677] : memref<96x60xi32, #tpu.memory_space<vmem>> -> memref<1x60xi32, #tpu.memory_space<vmem>>
      %dma_start3A_679 = tpu.memref_squeeze %dma_start3A_678 : memref<1x60xi32, #tpu.memory_space<vmem>> -> memref<60xi32, #tpu.memory_space<vmem>>
      %dma_start3A_680 = arith.constant 0 : i32
      %dma_start3A_681 = arith.constant 0 : i32
      %dma_start3A_682 = tpu.memref_slice %arg5[%dma_start3A_680, %dma_start3A_681] : memref<184320x128xf32, #tpu.memory_space<hbm>> -> memref<184320x128xf32, #tpu.memory_space<hbm>>
      tpu.enqueue_indirect_dma source(%dma_start3A_676 : memref<60x128xf32, #tpu.memory_space<vmem>>) target(%dma_start3A_682 : memref<184320x128xf32, #tpu.memory_space<hbm>>) offsets(%dma_start3A_679 : memref<60xi32, #tpu.memory_space<vmem>>) semaphore(%arg13 : memref<!tpu.dma_semaphore, #tpu.memory_space<semaphore_mem>>)
      %mul3A_683 = arith.constant 4 : i32
      %mul3A_684 = arith.muli %add3A_574, %mul3A_683 : i32
      %add3A_685 = arith.constant 2 : i32
      %add3A_686 = arith.addi %mul3A_684, %add3A_685 : i32
      %dma_start3A_687 = arith.constant 2 : i32
      %dma_start3A_688 = arith.constant 0 : i32
      %dma_start3A_689 = arith.constant 0 : i32
      %dma_start3A_690 = tpu.memref_slice %arg9[%dma_start3A_687, %dma_start3A_688, %dma_start3A_689] : memref<4x64x128xf32, #tpu.memory_space<vmem>> -> memref<1x60x128xf32, #tpu.memory_space<vmem>>
      %dma_start3A_691 = tpu.memref_squeeze %dma_start3A_690 : memref<1x60x128xf32, #tpu.memory_space<vmem>> -> memref<60x128xf32, #tpu.memory_space<vmem>>
      %dma_start3A_692 = arith.constant 0 : i32
      %dma_start3A_693 = tpu.memref_slice %arg8[%add3A_686, %dma_start3A_692] : memref<96x60xi32, #tpu.memory_space<vmem>> -> memref<1x60xi32, #tpu.memory_space<vmem>>
      %dma_start3A_694 = tpu.memref_squeeze %dma_start3A_693 : memref<1x60xi32, #tpu.memory_space<vmem>> -> memref<60xi32, #tpu.memory_space<vmem>>
      %dma_start3A_695 = arith.constant 0 : i32
      %dma_start3A_696 = arith.constant 0 : i32
      %dma_start3A_697 = tpu.memref_slice %arg5[%dma_start3A_695, %dma_start3A_696] : memref<184320x128xf32, #tpu.memory_space<hbm>> -> memref<184320x128xf32, #tpu.memory_space<hbm>>
      tpu.enqueue_indirect_dma source(%dma_start3A_691 : memref<60x128xf32, #tpu.memory_space<vmem>>) target(%dma_start3A_697 : memref<184320x128xf32, #tpu.memory_space<hbm>>) offsets(%dma_start3A_694 : memref<60xi32, #tpu.memory_space<vmem>>) semaphore(%arg13 : memref<!tpu.dma_semaphore, #tpu.memory_space<semaphore_mem>>)
      %mul3A_698 = arith.constant 4 : i32
      %mul3A_699 = arith.muli %add3A_574, %mul3A_698 : i32
      %add3A_700 = arith.constant 3 : i32
      %add3A_701 = arith.addi %mul3A_699, %add3A_700 : i32
      %dma_start3A_702 = arith.constant 3 : i32
      %dma_start3A_703 = arith.constant 0 : i32
      %dma_start3A_704 = arith.constant 0 : i32
      %dma_start3A_705 = tpu.memref_slice %arg9[%dma_start3A_702, %dma_start3A_703, %dma_start3A_704] : memref<4x64x128xf32, #tpu.memory_space<vmem>> -> memref<1x60x128xf32, #tpu.memory_space<vmem>>
      %dma_start3A_706 = tpu.memref_squeeze %dma_start3A_705 : memref<1x60x128xf32, #tpu.memory_space<vmem>> -> memref<60x128xf32, #tpu.memory_space<vmem>>
      %dma_start3A_707 = arith.constant 0 : i32
      %dma_start3A_708 = tpu.memref_slice %arg8[%add3A_701, %dma_start3A_707] : memref<96x60xi32, #tpu.memory_space<vmem>> -> memref<1x60xi32, #tpu.memory_space<vmem>>
      %dma_start3A_709 = tpu.memref_squeeze %dma_start3A_708 : memref<1x60xi32, #tpu.memory_space<vmem>> -> memref<60xi32, #tpu.memory_space<vmem>>
      %dma_start3A_710 = arith.constant 0 : i32
      %dma_start3A_711 = arith.constant 0 : i32
      %dma_start3A_712 = tpu.memref_slice %arg5[%dma_start3A_710, %dma_start3A_711] : memref<184320x128xf32, #tpu.memory_space<hbm>> -> memref<184320x128xf32, #tpu.memory_space<hbm>>
      tpu.enqueue_indirect_dma source(%dma_start3A_706 : memref<60x128xf32, #tpu.memory_space<vmem>>) target(%dma_start3A_712 : memref<184320x128xf32, #tpu.memory_space<hbm>>) offsets(%dma_start3A_709 : memref<60xi32, #tpu.memory_space<vmem>>) semaphore(%arg13 : memref<!tpu.dma_semaphore, #tpu.memory_space<semaphore_mem>>)
    }
    %scan3A_277 = arith.constant 11 : i32
    %dma_wait3A_278 = arith.constant 0 : i32
    %dma_wait3A_279 = arith.constant 88 : i32
    %dma_wait3A_280 = arith.constant 0 : i32
    %dma_wait3A_281 = arith.constant 0 : i32
    %dma_wait3A_282 = tpu.memref_slice %arg9[%dma_wait3A_278, %dma_wait3A_280, %dma_wait3A_281] : memref<4x64x128xf32, #tpu.memory_space<vmem>> -> memref<1x60x128xf32, #tpu.memory_space<vmem>>
    %dma_wait3A_283 = tpu.memref_squeeze %dma_wait3A_282 : memref<1x60x128xf32, #tpu.memory_space<vmem>> -> memref<60x128xf32, #tpu.memory_space<vmem>>
    %dma_wait3A_284 = arith.constant 0 : i32
    %dma_wait3A_285 = tpu.memref_slice %arg8[%dma_wait3A_279, %dma_wait3A_284] : memref<96x60xi32, #tpu.memory_space<vmem>> -> memref<1x60xi32, #tpu.memory_space<vmem>>
    %dma_wait3A_286 = tpu.memref_squeeze %dma_wait3A_285 : memref<1x60xi32, #tpu.memory_space<vmem>> -> memref<60xi32, #tpu.memory_space<vmem>>
    %dma_wait3A_287 = arith.constant 0 : i32
    %dma_wait3A_288 = arith.constant 0 : i32
    %dma_wait3A_289 = tpu.memref_slice %arg5[%dma_wait3A_287, %dma_wait3A_288] : memref<184320x128xf32, #tpu.memory_space<hbm>> -> memref<184320x128xf32, #tpu.memory_space<hbm>>
    tpu.wait_indirect_dma semaphore(%arg13 : memref<!tpu.dma_semaphore, #tpu.memory_space<semaphore_mem>>) src(%dma_wait3A_283 : memref<60x128xf32, #tpu.memory_space<vmem>>) dst(%dma_wait3A_289 : memref<184320x128xf32, #tpu.memory_space<hbm>>)
    %dma_wait3A_290 = arith.constant 1 : i32
    %dma_wait3A_291 = arith.constant 89 : i32
    %dma_wait3A_292 = arith.constant 0 : i32
    %dma_wait3A_293 = arith.constant 0 : i32
    %dma_wait3A_294 = tpu.memref_slice %arg9[%dma_wait3A_290, %dma_wait3A_292, %dma_wait3A_293] : memref<4x64x128xf32, #tpu.memory_space<vmem>> -> memref<1x60x128xf32, #tpu.memory_space<vmem>>
    %dma_wait3A_295 = tpu.memref_squeeze %dma_wait3A_294 : memref<1x60x128xf32, #tpu.memory_space<vmem>> -> memref<60x128xf32, #tpu.memory_space<vmem>>
    %dma_wait3A_296 = arith.constant 0 : i32
    %dma_wait3A_297 = tpu.memref_slice %arg8[%dma_wait3A_291, %dma_wait3A_296] : memref<96x60xi32, #tpu.memory_space<vmem>> -> memref<1x60xi32, #tpu.memory_space<vmem>>
    %dma_wait3A_298 = tpu.memref_squeeze %dma_wait3A_297 : memref<1x60xi32, #tpu.memory_space<vmem>> -> memref<60xi32, #tpu.memory_space<vmem>>
    %dma_wait3A_299 = arith.constant 0 : i32
    %dma_wait3A_300 = arith.constant 0 : i32
    %dma_wait3A_301 = tpu.memref_slice %arg5[%dma_wait3A_299, %dma_wait3A_300] : memref<184320x128xf32, #tpu.memory_space<hbm>> -> memref<184320x128xf32, #tpu.memory_space<hbm>>
    tpu.wait_indirect_dma semaphore(%arg13 : memref<!tpu.dma_semaphore, #tpu.memory_space<semaphore_mem>>) src(%dma_wait3A_295 : memref<60x128xf32, #tpu.memory_space<vmem>>) dst(%dma_wait3A_301 : memref<184320x128xf32, #tpu.memory_space<hbm>>)
    %dma_wait3A_302 = arith.constant 2 : i32
    %dma_wait3A_303 = arith.constant 90 : i32
    %dma_wait3A_304 = arith.constant 0 : i32
    %dma_wait3A_305 = arith.constant 0 : i32
    %dma_wait3A_306 = tpu.memref_slice %arg9[%dma_wait3A_302, %dma_wait3A_304, %dma_wait3A_305] : memref<4x64x128xf32, #tpu.memory_space<vmem>> -> memref<1x60x128xf32, #tpu.memory_space<vmem>>
    %dma_wait3A_307 = tpu.memref_squeeze %dma_wait3A_306 : memref<1x60x128xf32, #tpu.memory_space<vmem>> -> memref<60x128xf32, #tpu.memory_space<vmem>>
    %dma_wait3A_308 = arith.constant 0 : i32
    %dma_wait3A_309 = tpu.memref_slice %arg8[%dma_wait3A_303, %dma_wait3A_308] : memref<96x60xi32, #tpu.memory_space<vmem>> -> memref<1x60xi32, #tpu.memory_space<vmem>>
    %dma_wait3A_310 = tpu.memref_squeeze %dma_wait3A_309 : memref<1x60xi32, #tpu.memory_space<vmem>> -> memref<60xi32, #tpu.memory_space<vmem>>
    %dma_wait3A_311 = arith.constant 0 : i32
    %dma_wait3A_312 = arith.constant 0 : i32
    %dma_wait3A_313 = tpu.memref_slice %arg5[%dma_wait3A_311, %dma_wait3A_312] : memref<184320x128xf32, #tpu.memory_space<hbm>> -> memref<184320x128xf32, #tpu.memory_space<hbm>>
    tpu.wait_indirect_dma semaphore(%arg13 : memref<!tpu.dma_semaphore, #tpu.memory_space<semaphore_mem>>) src(%dma_wait3A_307 : memref<60x128xf32, #tpu.memory_space<vmem>>) dst(%dma_wait3A_313 : memref<184320x128xf32, #tpu.memory_space<hbm>>)
    %dma_wait3A_314 = arith.constant 3 : i32
    %dma_wait3A_315 = arith.constant 91 : i32
    %dma_wait3A_316 = arith.constant 0 : i32
    %dma_wait3A_317 = arith.constant 0 : i32
    %dma_wait3A_318 = tpu.memref_slice %arg9[%dma_wait3A_314, %dma_wait3A_316, %dma_wait3A_317] : memref<4x64x128xf32, #tpu.memory_space<vmem>> -> memref<1x60x128xf32, #tpu.memory_space<vmem>>
    %dma_wait3A_319 = tpu.memref_squeeze %dma_wait3A_318 : memref<1x60x128xf32, #tpu.memory_space<vmem>> -> memref<60x128xf32, #tpu.memory_space<vmem>>
    %dma_wait3A_320 = arith.constant 0 : i32
    %dma_wait3A_321 = tpu.memref_slice %arg8[%dma_wait3A_315, %dma_wait3A_320] : memref<96x60xi32, #tpu.memory_space<vmem>> -> memref<1x60xi32, #tpu.memory_space<vmem>>
    %dma_wait3A_322 = tpu.memref_squeeze %dma_wait3A_321 : memref<1x60xi32, #tpu.memory_space<vmem>> -> memref<60xi32, #tpu.memory_space<vmem>>
    %dma_wait3A_323 = arith.constant 0 : i32
    %dma_wait3A_324 = arith.constant 0 : i32
    %dma_wait3A_325 = tpu.memref_slice %arg5[%dma_wait3A_323, %dma_wait3A_324] : memref<184320x128xf32, #tpu.memory_space<hbm>> -> memref<184320x128xf32, #tpu.memory_space<hbm>>
    tpu.wait_indirect_dma semaphore(%arg13 : memref<!tpu.dma_semaphore, #tpu.memory_space<semaphore_mem>>) src(%dma_wait3A_319 : memref<60x128xf32, #tpu.memory_space<vmem>>) dst(%dma_wait3A_325 : memref<184320x128xf32, #tpu.memory_space<hbm>>)
    %dma_wait3A_326 = arith.constant 23 : i32
    %dma_wait3A_327 = arith.constant 0 : i32
    %dma_wait3A_328 = tpu.memref_slice %arg6[%dma_wait3A_326, %dma_wait3A_327] : memref<24x128xi32, #tpu.memory_space<vmem>> -> memref<1x4xi32, #tpu.memory_space<vmem>>
    %dma_wait3A_329 = tpu.memref_squeeze %dma_wait3A_328 : memref<1x4xi32, #tpu.memory_space<vmem>> -> memref<4xi32, #tpu.memory_space<vmem>>
    %dma_wait3A_330 = arith.constant 0 : i32
    %dma_wait3A_331 = arith.constant 0 : i32
    %dma_wait3A_332 = arith.constant 0 : i32
    %dma_wait3A_333 = tpu.memref_slice %arg2[%dma_wait3A_330, %dma_wait3A_331, %dma_wait3A_332] : memref<1248x64x128xf32, #tpu.memory_space<hbm>> -> memref<1248x64x128xf32, #tpu.memory_space<hbm>>
    tpu.wait_indirect_dma semaphore(%arg12 : memref<!tpu.dma_semaphore, #tpu.memory_space<semaphore_mem>>) src(%dma_wait3A_333 : memref<1248x64x128xf32, #tpu.memory_space<hbm>>) dst(%arg10 : memref<4x64x128xf32, #tpu.memory_space<vmem>>)
    %dma_start3A_334 = arith.constant 0 : i32
    %dma_start3A_335 = arith.constant 92 : i32
    %dma_start3A_336 = arith.constant 0 : i32
    %dma_start3A_337 = arith.constant 0 : i32
    %dma_start3A_338 = tpu.memref_slice %arg10[%dma_start3A_334, %dma_start3A_336, %dma_start3A_337] : memref<4x64x128xf32, #tpu.memory_space<vmem>> -> memref<1x60x128xf32, #tpu.memory_space<vmem>>
    %dma_start3A_339 = tpu.memref_squeeze %dma_start3A_338 : memref<1x60x128xf32, #tpu.memory_space<vmem>> -> memref<60x128xf32, #tpu.memory_space<vmem>>
    %dma_start3A_340 = arith.constant 0 : i32
    %dma_start3A_341 = tpu.memref_slice %arg8[%dma_start3A_335, %dma_start3A_340] : memref<96x60xi32, #tpu.memory_space<vmem>> -> memref<1x60xi32, #tpu.memory_space<vmem>>
    %dma_start3A_342 = tpu.memref_squeeze %dma_start3A_341 : memref<1x60xi32, #tpu.memory_space<vmem>> -> memref<60xi32, #tpu.memory_space<vmem>>
    %dma_start3A_343 = arith.constant 0 : i32
    %dma_start3A_344 = arith.constant 0 : i32
    %dma_start3A_345 = tpu.memref_slice %arg5[%dma_start3A_343, %dma_start3A_344] : memref<184320x128xf32, #tpu.memory_space<hbm>> -> memref<184320x128xf32, #tpu.memory_space<hbm>>
    tpu.enqueue_indirect_dma source(%dma_start3A_339 : memref<60x128xf32, #tpu.memory_space<vmem>>) target(%dma_start3A_345 : memref<184320x128xf32, #tpu.memory_space<hbm>>) offsets(%dma_start3A_342 : memref<60xi32, #tpu.memory_space<vmem>>) semaphore(%arg14 : memref<!tpu.dma_semaphore, #tpu.memory_space<semaphore_mem>>)
    %dma_start3A_346 = arith.constant 1 : i32
    %dma_start3A_347 = arith.constant 93 : i32
    %dma_start3A_348 = arith.constant 0 : i32
    %dma_start3A_349 = arith.constant 0 : i32
    %dma_start3A_350 = tpu.memref_slice %arg10[%dma_start3A_346, %dma_start3A_348, %dma_start3A_349] : memref<4x64x128xf32, #tpu.memory_space<vmem>> -> memref<1x60x128xf32, #tpu.memory_space<vmem>>
    %dma_start3A_351 = tpu.memref_squeeze %dma_start3A_350 : memref<1x60x128xf32, #tpu.memory_space<vmem>> -> memref<60x128xf32, #tpu.memory_space<vmem>>
    %dma_start3A_352 = arith.constant 0 : i32
    %dma_start3A_353 = tpu.memref_slice %arg8[%dma_start3A_347, %dma_start3A_352] : memref<96x60xi32, #tpu.memory_space<vmem>> -> memref<1x60xi32, #tpu.memory_space<vmem>>
    %dma_start3A_354 = tpu.memref_squeeze %dma_start3A_353 : memref<1x60xi32, #tpu.memory_space<vmem>> -> memref<60xi32, #tpu.memory_space<vmem>>
    %dma_start3A_355 = arith.constant 0 : i32
    %dma_start3A_356 = arith.constant 0 : i32
    %dma_start3A_357 = tpu.memref_slice %arg5[%dma_start3A_355, %dma_start3A_356] : memref<184320x128xf32, #tpu.memory_space<hbm>> -> memref<184320x128xf32, #tpu.memory_space<hbm>>
    tpu.enqueue_indirect_dma source(%dma_start3A_351 : memref<60x128xf32, #tpu.memory_space<vmem>>) target(%dma_start3A_357 : memref<184320x128xf32, #tpu.memory_space<hbm>>) offsets(%dma_start3A_354 : memref<60xi32, #tpu.memory_space<vmem>>) semaphore(%arg14 : memref<!tpu.dma_semaphore, #tpu.memory_space<semaphore_mem>>)
    %dma_start3A_358 = arith.constant 2 : i32
    %dma_start3A_359 = arith.constant 94 : i32
    %dma_start3A_360 = arith.constant 0 : i32
    %dma_start3A_361 = arith.constant 0 : i32
    %dma_start3A_362 = tpu.memref_slice %arg10[%dma_start3A_358, %dma_start3A_360, %dma_start3A_361] : memref<4x64x128xf32, #tpu.memory_space<vmem>> -> memref<1x60x128xf32, #tpu.memory_space<vmem>>
    %dma_start3A_363 = tpu.memref_squeeze %dma_start3A_362 : memref<1x60x128xf32, #tpu.memory_space<vmem>> -> memref<60x128xf32, #tpu.memory_space<vmem>>
    %dma_start3A_364 = arith.constant 0 : i32
    %dma_start3A_365 = tpu.memref_slice %arg8[%dma_start3A_359, %dma_start3A_364] : memref<96x60xi32, #tpu.memory_space<vmem>> -> memref<1x60xi32, #tpu.memory_space<vmem>>
    %dma_start3A_366 = tpu.memref_squeeze %dma_start3A_365 : memref<1x60xi32, #tpu.memory_space<vmem>> -> memref<60xi32, #tpu.memory_space<vmem>>
    %dma_start3A_367 = arith.constant 0 : i32
    %dma_start3A_368 = arith.constant 0 : i32
    %dma_start3A_369 = tpu.memref_slice %arg5[%dma_start3A_367, %dma_start3A_368] : memref<184320x128xf32, #tpu.memory_space<hbm>> -> memref<184320x128xf32, #tpu.memory_space<hbm>>
    tpu.enqueue_indirect_dma source(%dma_start3A_363 : memref<60x128xf32, #tpu.memory_space<vmem>>) target(%dma_start3A_369 : memref<184320x128xf32, #tpu.memory_space<hbm>>) offsets(%dma_start3A_366 : memref<60xi32, #tpu.memory_space<vmem>>) semaphore(%arg14 : memref<!tpu.dma_semaphore, #tpu.memory_space<semaphore_mem>>)
    %dma_start3A_370 = arith.constant 3 : i32
    %dma_start3A_371 = arith.constant 95 : i32
    %dma_start3A_372 = arith.constant 0 : i32
    %dma_start3A_373 = arith.constant 0 : i32
    %dma_start3A_374 = tpu.memref_slice %arg10[%dma_start3A_370, %dma_start3A_372, %dma_start3A_373] : memref<4x64x128xf32, #tpu.memory_space<vmem>> -> memref<1x60x128xf32, #tpu.memory_space<vmem>>
    %dma_start3A_375 = tpu.memref_squeeze %dma_start3A_374 : memref<1x60x128xf32, #tpu.memory_space<vmem>> -> memref<60x128xf32, #tpu.memory_space<vmem>>
    %dma_start3A_376 = arith.constant 0 : i32
    %dma_start3A_377 = tpu.memref_slice %arg8[%dma_start3A_371, %dma_start3A_376] : memref<96x60xi32, #tpu.memory_space<vmem>> -> memref<1x60xi32, #tpu.memory_space<vmem>>
    %dma_start3A_378 = tpu.memref_squeeze %dma_start3A_377 : memref<1x60xi32, #tpu.memory_space<vmem>> -> memref<60xi32, #tpu.memory_space<vmem>>
    %dma_start3A_379 = arith.constant 0 : i32
    %dma_start3A_380 = arith.constant 0 : i32
    %dma_start3A_381 = tpu.memref_slice %arg5[%dma_start3A_379, %dma_start3A_380] : memref<184320x128xf32, #tpu.memory_space<hbm>> -> memref<184320x128xf32, #tpu.memory_space<hbm>>
    tpu.enqueue_indirect_dma source(%dma_start3A_375 : memref<60x128xf32, #tpu.memory_space<vmem>>) target(%dma_start3A_381 : memref<184320x128xf32, #tpu.memory_space<hbm>>) offsets(%dma_start3A_378 : memref<60xi32, #tpu.memory_space<vmem>>) semaphore(%arg14 : memref<!tpu.dma_semaphore, #tpu.memory_space<semaphore_mem>>)
    %dma_wait3A_382 = arith.constant 0 : i32
    %dma_wait3A_383 = arith.constant 92 : i32
    %dma_wait3A_384 = arith.constant 0 : i32
    %dma_wait3A_385 = arith.constant 0 : i32
    %dma_wait3A_386 = tpu.memref_slice %arg10[%dma_wait3A_382, %dma_wait3A_384, %dma_wait3A_385] : memref<4x64x128xf32, #tpu.memory_space<vmem>> -> memref<1x60x128xf32, #tpu.memory_space<vmem>>
    %dma_wait3A_387 = tpu.memref_squeeze %dma_wait3A_386 : memref<1x60x128xf32, #tpu.memory_space<vmem>> -> memref<60x128xf32, #tpu.memory_space<vmem>>
    %dma_wait3A_388 = arith.constant 0 : i32
    %dma_wait3A_389 = tpu.memref_slice %arg8[%dma_wait3A_383, %dma_wait3A_388] : memref<96x60xi32, #tpu.memory_space<vmem>> -> memref<1x60xi32, #tpu.memory_space<vmem>>
    %dma_wait3A_390 = tpu.memref_squeeze %dma_wait3A_389 : memref<1x60xi32, #tpu.memory_space<vmem>> -> memref<60xi32, #tpu.memory_space<vmem>>
    %dma_wait3A_391 = arith.constant 0 : i32
    %dma_wait3A_392 = arith.constant 0 : i32
    %dma_wait3A_393 = tpu.memref_slice %arg5[%dma_wait3A_391, %dma_wait3A_392] : memref<184320x128xf32, #tpu.memory_space<hbm>> -> memref<184320x128xf32, #tpu.memory_space<hbm>>
    tpu.wait_indirect_dma semaphore(%arg14 : memref<!tpu.dma_semaphore, #tpu.memory_space<semaphore_mem>>) src(%dma_wait3A_387 : memref<60x128xf32, #tpu.memory_space<vmem>>) dst(%dma_wait3A_393 : memref<184320x128xf32, #tpu.memory_space<hbm>>)
    %dma_wait3A_394 = arith.constant 1 : i32
    %dma_wait3A_395 = arith.constant 93 : i32
    %dma_wait3A_396 = arith.constant 0 : i32
    %dma_wait3A_397 = arith.constant 0 : i32
    %dma_wait3A_398 = tpu.memref_slice %arg10[%dma_wait3A_394, %dma_wait3A_396, %dma_wait3A_397] : memref<4x64x128xf32, #tpu.memory_space<vmem>> -> memref<1x60x128xf32, #tpu.memory_space<vmem>>
    %dma_wait3A_399 = tpu.memref_squeeze %dma_wait3A_398 : memref<1x60x128xf32, #tpu.memory_space<vmem>> -> memref<60x128xf32, #tpu.memory_space<vmem>>
    %dma_wait3A_400 = arith.constant 0 : i32
    %dma_wait3A_401 = tpu.memref_slice %arg8[%dma_wait3A_395, %dma_wait3A_400] : memref<96x60xi32, #tpu.memory_space<vmem>> -> memref<1x60xi32, #tpu.memory_space<vmem>>
    %dma_wait3A_402 = tpu.memref_squeeze %dma_wait3A_401 : memref<1x60xi32, #tpu.memory_space<vmem>> -> memref<60xi32, #tpu.memory_space<vmem>>
    %dma_wait3A_403 = arith.constant 0 : i32
    %dma_wait3A_404 = arith.constant 0 : i32
    %dma_wait3A_405 = tpu.memref_slice %arg5[%dma_wait3A_403, %dma_wait3A_404] : memref<184320x128xf32, #tpu.memory_space<hbm>> -> memref<184320x128xf32, #tpu.memory_space<hbm>>
    tpu.wait_indirect_dma semaphore(%arg14 : memref<!tpu.dma_semaphore, #tpu.memory_space<semaphore_mem>>) src(%dma_wait3A_399 : memref<60x128xf32, #tpu.memory_space<vmem>>) dst(%dma_wait3A_405 : memref<184320x128xf32, #tpu.memory_space<hbm>>)
    %dma_wait3A_406 = arith.constant 2 : i32
    %dma_wait3A_407 = arith.constant 94 : i32
    %dma_wait3A_408 = arith.constant 0 : i32
    %dma_wait3A_409 = arith.constant 0 : i32
    %dma_wait3A_410 = tpu.memref_slice %arg10[%dma_wait3A_406, %dma_wait3A_408, %dma_wait3A_409] : memref<4x64x128xf32, #tpu.memory_space<vmem>> -> memref<1x60x128xf32, #tpu.memory_space<vmem>>
    %dma_wait3A_411 = tpu.memref_squeeze %dma_wait3A_410 : memref<1x60x128xf32, #tpu.memory_space<vmem>> -> memref<60x128xf32, #tpu.memory_space<vmem>>
    %dma_wait3A_412 = arith.constant 0 : i32
    %dma_wait3A_413 = tpu.memref_slice %arg8[%dma_wait3A_407, %dma_wait3A_412] : memref<96x60xi32, #tpu.memory_space<vmem>> -> memref<1x60xi32, #tpu.memory_space<vmem>>
    %dma_wait3A_414 = tpu.memref_squeeze %dma_wait3A_413 : memref<1x60xi32, #tpu.memory_space<vmem>> -> memref<60xi32, #tpu.memory_space<vmem>>
    %dma_wait3A_415 = arith.constant 0 : i32
    %dma_wait3A_416 = arith.constant 0 : i32
    %dma_wait3A_417 = tpu.memref_slice %arg5[%dma_wait3A_415, %dma_wait3A_416] : memref<184320x128xf32, #tpu.memory_space<hbm>> -> memref<184320x128xf32, #tpu.memory_space<hbm>>
    tpu.wait_indirect_dma semaphore(%arg14 : memref<!tpu.dma_semaphore, #tpu.memory_space<semaphore_mem>>) src(%dma_wait3A_411 : memref<60x128xf32, #tpu.memory_space<vmem>>) dst(%dma_wait3A_417 : memref<184320x128xf32, #tpu.memory_space<hbm>>)
    %dma_wait3A_418 = arith.constant 3 : i32
    %dma_wait3A_419 = arith.constant 95 : i32
    %dma_wait3A_420 = arith.constant 0 : i32
    %dma_wait3A_421 = arith.constant 0 : i32
    %dma_wait3A_422 = tpu.memref_slice %arg10[%dma_wait3A_418, %dma_wait3A_420, %dma_wait3A_421] : memref<4x64x128xf32, #tpu.memory_space<vmem>> -> memref<1x60x128xf32, #tpu.memory_space<vmem>>
    %dma_wait3A_423 = tpu.memref_squeeze %dma_wait3A_422 : memref<1x60x128xf32, #tpu.memory_space<vmem>> -> memref<60x128xf32, #tpu.memory_space<vmem>>
    %dma_wait3A_424 = arith.constant 0 : i32
    %dma_wait3A_425 = tpu.memref_slice %arg8[%dma_wait3A_419, %dma_wait3A_424] : memref<96x60xi32, #tpu.memory_space<vmem>> -> memref<1x60xi32, #tpu.memory_space<vmem>>
    %dma_wait3A_426 = tpu.memref_squeeze %dma_wait3A_425 : memref<1x60xi32, #tpu.memory_space<vmem>> -> memref<60xi32, #tpu.memory_space<vmem>>
    %dma_wait3A_427 = arith.constant 0 : i32
    %dma_wait3A_428 = arith.constant 0 : i32
    %dma_wait3A_429 = tpu.memref_slice %arg5[%dma_wait3A_427, %dma_wait3A_428] : memref<184320x128xf32, #tpu.memory_space<hbm>> -> memref<184320x128xf32, #tpu.memory_space<hbm>>
    tpu.wait_indirect_dma semaphore(%arg14 : memref<!tpu.dma_semaphore, #tpu.memory_space<semaphore_mem>>) src(%dma_wait3A_423 : memref<60x128xf32, #tpu.memory_space<vmem>>) dst(%dma_wait3A_429 : memref<184320x128xf32, #tpu.memory_space<hbm>>)
    return
  }
}

module attributes {stable_mosaic.version = 14 : i64} {
  func.func @_prep_body(%arg0: i32, %arg1: memref<1x64x768xf32, #tpu.memory_space<vmem>>, %arg2: memref<1x100x768xf32, #tpu.memory_space<vmem>>, %arg3: memref<1x10x104x768xf32, #tpu.memory_space<vmem>>, %arg4: memref<1x64x128xi32, #tpu.memory_space<vmem>>, %arg5: memref<104x64x128xf32, #tpu.memory_space<vmem>>) attributes {dimension_semantics = [#tpu.dimension_semantics<arbitrary>], iteration_bounds = array<i64: 12>, scalar_prefetch = 0 : i64, scratch_operands = 0 : i64, tpu.core_type = #tpu.core_type<tc>, window_params = [{transform_indices = @transform_0, window_bounds = array<i64: 1, 64, 768>}, {transform_indices = @transform_1, window_bounds = array<i64: 1, 100, 768>}, {transform_indices = @transform_2, window_bounds = array<i64: 1, 10, 104, 768>}, {transform_indices = @transform_3, window_bounds = array<i64: 1, 64, 128>}, {transform_indices = @transform_4, window_bounds = array<i64: 104, 64, 128>}]} {
    %get3A = arith.constant 0 : index
    %get3A_0 = arith.constant 0 : index
    %get3A_1 = arith.constant 0 : index
    %get3A_2 = vector.load %arg2[%get3A, %get3A_0, %get3A_1] : memref<1x100x768xf32, #tpu.memory_space<vmem>>, vector<1x100x768xf32>
    %get3A_3 = vector.shape_cast %get3A_2 : vector<1x100x768xf32> to vector<100x768xf32>
    %convert_element_type3A = arith.truncf %get3A_3 : vector<100x768xf32> to vector<100x768xbf16>
    %get3A_4 = arith.constant 0 : index
    %get3A_5 = arith.constant 0 : index
    %get3A_6 = arith.constant 0 : index
    %get3A_7 = vector.load %arg1[%get3A_4, %get3A_5, %get3A_6] : memref<1x64x768xf32, #tpu.memory_space<vmem>>, vector<1x64x768xf32>
    %get3A_8 = vector.shape_cast %get3A_7 : vector<1x64x768xf32> to vector<64x768xf32>
    %convert_element_type3A_9 = arith.truncf %get3A_8 : vector<64x768xf32> to vector<64x768xbf16>
    %dot_general3A = arith.constant dense<0.000000e+00> : vector<64x100xf32>
    %dot_general3A_10 = tpu.matmul %convert_element_type3A_9, %convert_element_type3A, %dot_general3A {dimension_numbers = #tpu.dot_dimension_numbers<[1], [1], [0], [0], [0, 0, 1, 0], [], []>, transpose_lhs_hint = false} : vector<64x768xbf16>, vector<100x768xbf16>, vector<64x100xf32> -> vector<64x100xf32>
    %iota3A = tpu.iota {dimensions = array<i32: 1>} : vector<64x100xi32>
    %iota3A_11 = tpu.iota {dimensions = array<i32: 1>} : vector<64x128xi32>
    %broadcast_in_dim3A = arith.constant 0 : i32
    %broadcast_in_dim3A_12 = vector.broadcast %broadcast_in_dim3A : i32 to vector<64x128xi32>
    %reduce_max3A = arith.constant dense<0xFF800000> : vector<64xf32>
    %reduce_max3A_13 = vector.multi_reduction <maximumf>, %dot_general3A_10, %reduce_max3A [1] : vector<64x100xf32> to vector<64xf32>
    %broadcast_in_dim3A_14 = vector.shape_cast %reduce_max3A_13 : vector<64xf32> to vector<64x1xf32>
    %ge3A = vector.broadcast %broadcast_in_dim3A_14 : vector<64x1xf32> to vector<64x100xf32>
    %ge3A_15 = arith.cmpf oge, %dot_general3A_10, %ge3A : vector<64x100xf32>
    %jit3A = arith.constant 100 : i32
    %broadcast_in_dim3A_16 = vector.broadcast %jit3A : i32 to vector<64x100xi32>
    %select_n3A = arith.select %ge3A_15, %iota3A, %broadcast_in_dim3A_16 : vector<64x100xi1>, vector<64x100xi32>
    %reduce_min3A = arith.constant dense<2147483647> : vector<64xi32>
    %reduce_min3A_17 = vector.multi_reduction <minsi>, %select_n3A, %reduce_min3A [1] : vector<64x100xi32> to vector<64xi32>
    %broadcast_in_dim3A_18 = vector.shape_cast %reduce_min3A_17 : vector<64xi32> to vector<64x1xi32>
    %eq3A = arith.constant 0 : i32
    %eq3A_19 = vector.broadcast %eq3A : i32 to vector<64x128xi32>
    %eq3A_20 = arith.cmpi eq, %iota3A_11, %eq3A_19 : vector<64x128xi32>
    %mul3A = arith.constant 104 : i32
    %mul3A_21 = arith.muli %arg0, %mul3A : i32
    %add3A = vector.broadcast %mul3A_21 : i32 to vector<64x1xi32>
    %add3A_22 = arith.addi %add3A, %broadcast_in_dim3A_18 : vector<64x1xi32>
    %broadcast_in_dim3A_23 = vector.shape_cast %add3A_22 : vector<64x1xi32> to vector<64x1xi32>
    %broadcast_in_dim3A_24 = vector.broadcast %broadcast_in_dim3A_23 : vector<64x1xi32> to vector<64x128xi32>
    %select_n3A_25 = arith.select %eq3A_20, %broadcast_in_dim3A_24, %broadcast_in_dim3A_12 : vector<64x128xi1>, vector<64x128xi32>
    %eq3A_26 = vector.broadcast %broadcast_in_dim3A_18 : vector<64x1xi32> to vector<64x100xi32>
    %eq3A_27 = arith.cmpi eq, %iota3A, %eq3A_26 : vector<64x100xi32>
    %jit3A_28 = arith.constant -3.000000e+38 : f32
    %broadcast_in_dim3A_29 = vector.broadcast %jit3A_28 : f32 to vector<64x100xf32>
    %select_n3A_30 = arith.select %eq3A_27, %broadcast_in_dim3A_29, %dot_general3A_10 : vector<64x100xi1>, vector<64x100xf32>
    %reduce_max3A_31 = arith.constant dense<0xFF800000> : vector<64xf32>
    %reduce_max3A_32 = vector.multi_reduction <maximumf>, %select_n3A_30, %reduce_max3A_31 [1] : vector<64x100xf32> to vector<64xf32>
    %broadcast_in_dim3A_33 = vector.shape_cast %reduce_max3A_32 : vector<64xf32> to vector<64x1xf32>
    %ge3A_34 = vector.broadcast %broadcast_in_dim3A_33 : vector<64x1xf32> to vector<64x100xf32>
    %ge3A_35 = arith.cmpf oge, %select_n3A_30, %ge3A_34 : vector<64x100xf32>
    %jit3A_36 = arith.constant 100 : i32
    %broadcast_in_dim3A_37 = vector.broadcast %jit3A_36 : i32 to vector<64x100xi32>
    %select_n3A_38 = arith.select %ge3A_35, %iota3A, %broadcast_in_dim3A_37 : vector<64x100xi1>, vector<64x100xi32>
    %reduce_min3A_39 = arith.constant dense<2147483647> : vector<64xi32>
    %reduce_min3A_40 = vector.multi_reduction <minsi>, %select_n3A_38, %reduce_min3A_39 [1] : vector<64x100xi32> to vector<64xi32>
    %broadcast_in_dim3A_41 = vector.shape_cast %reduce_min3A_40 : vector<64xi32> to vector<64x1xi32>
    %eq3A_42 = arith.constant 1 : i32
    %eq3A_43 = vector.broadcast %eq3A_42 : i32 to vector<64x128xi32>
    %eq3A_44 = arith.cmpi eq, %iota3A_11, %eq3A_43 : vector<64x128xi32>
    %mul3A_45 = arith.constant 104 : i32
    %mul3A_46 = arith.muli %arg0, %mul3A_45 : i32
    %add3A_47 = vector.broadcast %mul3A_46 : i32 to vector<64x1xi32>
    %add3A_48 = arith.addi %add3A_47, %broadcast_in_dim3A_41 : vector<64x1xi32>
    %broadcast_in_dim3A_49 = vector.shape_cast %add3A_48 : vector<64x1xi32> to vector<64x1xi32>
    %broadcast_in_dim3A_50 = vector.broadcast %broadcast_in_dim3A_49 : vector<64x1xi32> to vector<64x128xi32>
    %select_n3A_51 = arith.select %eq3A_44, %broadcast_in_dim3A_50, %select_n3A_25 : vector<64x128xi1>, vector<64x128xi32>
    %eq3A_52 = vector.broadcast %broadcast_in_dim3A_41 : vector<64x1xi32> to vector<64x100xi32>
    %eq3A_53 = arith.cmpi eq, %iota3A, %eq3A_52 : vector<64x100xi32>
    %jit3A_54 = arith.constant -3.000000e+38 : f32
    %broadcast_in_dim3A_55 = vector.broadcast %jit3A_54 : f32 to vector<64x100xf32>
    %select_n3A_56 = arith.select %eq3A_53, %broadcast_in_dim3A_55, %select_n3A_30 : vector<64x100xi1>, vector<64x100xf32>
    %reduce_max3A_57 = arith.constant dense<0xFF800000> : vector<64xf32>
    %reduce_max3A_58 = vector.multi_reduction <maximumf>, %select_n3A_56, %reduce_max3A_57 [1] : vector<64x100xf32> to vector<64xf32>
    %broadcast_in_dim3A_59 = vector.shape_cast %reduce_max3A_58 : vector<64xf32> to vector<64x1xf32>
    %ge3A_60 = vector.broadcast %broadcast_in_dim3A_59 : vector<64x1xf32> to vector<64x100xf32>
    %ge3A_61 = arith.cmpf oge, %select_n3A_56, %ge3A_60 : vector<64x100xf32>
    %jit3A_62 = arith.constant 100 : i32
    %broadcast_in_dim3A_63 = vector.broadcast %jit3A_62 : i32 to vector<64x100xi32>
    %select_n3A_64 = arith.select %ge3A_61, %iota3A, %broadcast_in_dim3A_63 : vector<64x100xi1>, vector<64x100xi32>
    %reduce_min3A_65 = arith.constant dense<2147483647> : vector<64xi32>
    %reduce_min3A_66 = vector.multi_reduction <minsi>, %select_n3A_64, %reduce_min3A_65 [1] : vector<64x100xi32> to vector<64xi32>
    %broadcast_in_dim3A_67 = vector.shape_cast %reduce_min3A_66 : vector<64xi32> to vector<64x1xi32>
    %eq3A_68 = arith.constant 2 : i32
    %eq3A_69 = vector.broadcast %eq3A_68 : i32 to vector<64x128xi32>
    %eq3A_70 = arith.cmpi eq, %iota3A_11, %eq3A_69 : vector<64x128xi32>
    %mul3A_71 = arith.constant 104 : i32
    %mul3A_72 = arith.muli %arg0, %mul3A_71 : i32
    %add3A_73 = vector.broadcast %mul3A_72 : i32 to vector<64x1xi32>
    %add3A_74 = arith.addi %add3A_73, %broadcast_in_dim3A_67 : vector<64x1xi32>
    %broadcast_in_dim3A_75 = vector.shape_cast %add3A_74 : vector<64x1xi32> to vector<64x1xi32>
    %broadcast_in_dim3A_76 = vector.broadcast %broadcast_in_dim3A_75 : vector<64x1xi32> to vector<64x128xi32>
    %select_n3A_77 = arith.select %eq3A_70, %broadcast_in_dim3A_76, %select_n3A_51 : vector<64x128xi1>, vector<64x128xi32>
    %eq3A_78 = vector.broadcast %broadcast_in_dim3A_67 : vector<64x1xi32> to vector<64x100xi32>
    %eq3A_79 = arith.cmpi eq, %iota3A, %eq3A_78 : vector<64x100xi32>
    %jit3A_80 = arith.constant -3.000000e+38 : f32
    %broadcast_in_dim3A_81 = vector.broadcast %jit3A_80 : f32 to vector<64x100xf32>
    %select_n3A_82 = arith.select %eq3A_79, %broadcast_in_dim3A_81, %select_n3A_56 : vector<64x100xi1>, vector<64x100xf32>
    %reduce_max3A_83 = arith.constant dense<0xFF800000> : vector<64xf32>
    %reduce_max3A_84 = vector.multi_reduction <maximumf>, %select_n3A_82, %reduce_max3A_83 [1] : vector<64x100xf32> to vector<64xf32>
    %broadcast_in_dim3A_85 = vector.shape_cast %reduce_max3A_84 : vector<64xf32> to vector<64x1xf32>
    %ge3A_86 = vector.broadcast %broadcast_in_dim3A_85 : vector<64x1xf32> to vector<64x100xf32>
    %ge3A_87 = arith.cmpf oge, %select_n3A_82, %ge3A_86 : vector<64x100xf32>
    %jit3A_88 = arith.constant 100 : i32
    %broadcast_in_dim3A_89 = vector.broadcast %jit3A_88 : i32 to vector<64x100xi32>
    %select_n3A_90 = arith.select %ge3A_87, %iota3A, %broadcast_in_dim3A_89 : vector<64x100xi1>, vector<64x100xi32>
    %reduce_min3A_91 = arith.constant dense<2147483647> : vector<64xi32>
    %reduce_min3A_92 = vector.multi_reduction <minsi>, %select_n3A_90, %reduce_min3A_91 [1] : vector<64x100xi32> to vector<64xi32>
    %broadcast_in_dim3A_93 = vector.shape_cast %reduce_min3A_92 : vector<64xi32> to vector<64x1xi32>
    %eq3A_94 = arith.constant 3 : i32
    %eq3A_95 = vector.broadcast %eq3A_94 : i32 to vector<64x128xi32>
    %eq3A_96 = arith.cmpi eq, %iota3A_11, %eq3A_95 : vector<64x128xi32>
    %mul3A_97 = arith.constant 104 : i32
    %mul3A_98 = arith.muli %arg0, %mul3A_97 : i32
    %add3A_99 = vector.broadcast %mul3A_98 : i32 to vector<64x1xi32>
    %add3A_100 = arith.addi %add3A_99, %broadcast_in_dim3A_93 : vector<64x1xi32>
    %broadcast_in_dim3A_101 = vector.shape_cast %add3A_100 : vector<64x1xi32> to vector<64x1xi32>
    %broadcast_in_dim3A_102 = vector.broadcast %broadcast_in_dim3A_101 : vector<64x1xi32> to vector<64x128xi32>
    %select_n3A_103 = arith.select %eq3A_96, %broadcast_in_dim3A_102, %select_n3A_77 : vector<64x128xi1>, vector<64x128xi32>
    %swap3A = arith.constant 0 : index
    %swap3A_104 = arith.constant 0 : index
    %swap3A_105 = arith.constant 0 : index
    %swap3A_106 = vector.load %arg4[%swap3A, %swap3A_104, %swap3A_105] : memref<1x64x128xi32, #tpu.memory_space<vmem>>, vector<1x64x128xi32>
    %swap3A_107 = vector.shape_cast %swap3A_106 : vector<1x64x128xi32> to vector<64x128xi32>
    %swap3A_108 = vector.shape_cast %select_n3A_103 : vector<64x128xi32> to vector<1x64x128xi32>
    tpu.vector_store %arg4[%swap3A, %swap3A_104, %swap3A_105], %swap3A_108 {strides = array<i32>} : memref<1x64x128xi32, #tpu.memory_space<vmem>>, vector<1x64x128xi32>,
    %get3A_109 = arith.constant 0 : index
    %get3A_110 = arith.constant 0 : index
    %get3A_111 = arith.constant 0 : index
    %get3A_112 = arith.constant 0 : index
    %get3A_113 = vector.load %arg3[%get3A_109, %get3A_110, %get3A_111, %get3A_112] : memref<1x10x104x768xf32, #tpu.memory_space<vmem>>, vector<1x10x104x768xf32>
    %get3A_114 = vector.shape_cast %get3A_113 : vector<1x10x104x768xf32> to vector<10x104x768xf32>
    %transpose3A = tpu.transpose %get3A_114, [1, 0, 2] : vector<10x104x768xf32> -> vector<104x10x768xf32>
    %reshape3A = vector.shape_cast %transpose3A : vector<104x10x768xf32> to vector<104x60x128xf32>
    %swap3A_115 = arith.constant 0 : index
    %swap3A_116 = arith.constant 0 : index
    %swap3A_117 = arith.constant 0 : index
    %swap3A_118 = vector.load %arg5[%swap3A_115, %swap3A_116, %swap3A_117] : memref<104x64x128xf32, #tpu.memory_space<vmem>>, vector<104x60x128xf32>
    tpu.vector_store %arg5[%swap3A_115, %swap3A_116, %swap3A_117], %reshape3A {strides = array<i32>} : memref<104x64x128xf32, #tpu.memory_space<vmem>>, vector<104x60x128xf32>,
    %broadcast_in_dim3A_119 = arith.constant 0.000000e+00 : f32
    %broadcast_in_dim3A_120 = vector.broadcast %broadcast_in_dim3A_119 : f32 to vector<104x4x128xf32>
    %swap3A_121 = arith.constant 0 : index
    %swap3A_122 = arith.constant 60 : index
    %swap3A_123 = arith.constant 0 : index
    %swap3A_124 = vector.load %arg5[%swap3A_121, %swap3A_122, %swap3A_123] : memref<104x64x128xf32, #tpu.memory_space<vmem>>, vector<104x4x128xf32>
    tpu.vector_store %arg5[%swap3A_121, %swap3A_122, %swap3A_123], %broadcast_in_dim3A_120 {strides = array<i32>} : memref<104x64x128xf32, #tpu.memory_space<vmem>>, vector<104x4x128xf32>,
    return
  }
  func.func @transform_0(%arg0: i32) -> (i32, i32, i32) {
    %c0_i32 = arith.constant 0 : i32
    %c0_i32_0 = arith.constant 0 : i32
    %c0_i32_1 = arith.constant 0 : i32
    return %arg0, %c0_i32, %c0_i32_0 : i32, i32, i32
  }
  func.func @transform_1(%arg0: i32) -> (i32, i32, i32) {
    %c0_i32 = arith.constant 0 : i32
    %c0_i32_0 = arith.constant 0 : i32
    %c0_i32_1 = arith.constant 0 : i32
    return %arg0, %c0_i32, %c0_i32_0 : i32, i32, i32
  }
  func.func @transform_2(%arg0: i32) -> (i32, i32, i32, i32) {
    %c0_i32 = arith.constant 0 : i32
    %c0_i32_0 = arith.constant 0 : i32
    %c0_i32_1 = arith.constant 0 : i32
    %c0_i32_2 = arith.constant 0 : i32
    return %arg0, %c0_i32, %c0_i32_0, %c0_i32_1 : i32, i32, i32, i32
  }
  func.func @transform_3(%arg0: i32) -> (i32, i32, i32) {
    %c0_i32 = arith.constant 0 : i32
    %c0_i32_0 = arith.constant 0 : i32
    %c0_i32_1 = arith.constant 0 : i32
    return %arg0, %c0_i32, %c0_i32_0 : i32, i32, i32
  }
  func.func @transform_4(%arg0: i32) -> (i32, i32, i32) {
    %c0_i32 = arith.constant 0 : i32
    %c0_i32_0 = arith.constant 0 : i32
    %c0_i32_1 = arith.constant 0 : i32
    return %arg0, %c0_i32, %c0_i32_0 : i32, i32, i32
  }
}

</mosaic_0001>

<sc_bundles>
// kernel: kernel.4.cloned.1.call-start
scs
__scs_entry_jumppad:
0x0: {  	(pc) =	sbr.rel $0x88, $3  }
0x1: {  	(tag) =	ssettag $0x0;
	lr =	simm.s32 $0x1  }
0x2: {  	[smem:$0x3F9E] =	sst lr;
	_ =	strace $0xD0000000  }
0x3: {  	_ = 	snop  }
0x4: {  	_ = 	snop  }
0x5: {  	_ = 	snop  }
0x6: {  	_ = 	snop  }
0x7: {  	_ = 	snop  }
__scs_overlays_trampoline_lowered:
0x8: {  	[smem:$0x3FAD] =	sst s0  }
0x9: {  	[smem:$0x3FAE] =	sst s1  }
0xa: {  	[smem:$0x3FAF] =	sst s2  }
0xb: {  	[smem:$0x3FB0] =	sst s3  }
0xc: {  	[smem:$0x3FB1] =	sst s4  }
0xd: {  	[smem:$0x3FB2] =	sst s5  }
0xe: {  	[smem:$0x3FB3] =	sst s6  }
0xf: {  	[smem:$0x3FB4] =	sst s7  }
0x10: {  	[smem:$0x3FB5] =	sst s8  }
0x11: {  	[smem:$0x3FB6] =	sst s9;
	s0 =	simm.s32 @!p0 $0x0  }
0x12: {  	s1 =	sld [smem:$0x3F9C];
	s0 =	simm.s32 @p0 $0x1  }
0x13: {  	[smem:$0x3FB7] =	sst s0;
	s0 =	simm.s32 @!p1 $0x0  }
0x14: {  	s2 =	sld [smem:$0x3F9B];
	s0 =	simm.s32 @p1 $0x1  }
0x15: {  	[smem:$0x3FB8] =	sst s0;
	s0 =	simm.s32 @!p2 $0x0  }
0x16: {  	s3 =	sld [smem:$0x3FDB];
	s0 =	simm.s32 @p2 $0x1  }
0x17: {  	s4 =	simm.s32 $0x1BF5;
	[smem:$0x3FBA] =	sst s0  }
0x18: {  	s0 =	sld [smem:$0x3F9D];
	_ =	swait.ge [sflag:s4], $0x0  }
0x19: {  	s7 =	sld [smem:$0x3F9E]  }
0x1a: {  	s8 =	sadd.s32 $0xFFFFE003, lr  }
0x1b: {  	s9 =	sadd.s32 $0xFFFFFEF7, lr;
	s5 =	simm.s32 $0xFFFFFFFF;
	p2 =	slt.u32 s8, $0xFFFFF086  }
0x1c: {  	p1 =	slt.u32 s9, $0xF7A;
	s5 =	simm.s32 @!p2 $0x0  }
0x1d: {  	s5 =	simm.s32 @p1 $0x1;
	p0 =	seq.s32 s7, s2  }
0x1e: {  	s7 =	smul.u32 @!p0 $0xF7A, s2;
	p2 =	seq.s32 @!p0 s5, $0x0  }
0x1f: {  	s9 =	smul.u32 $0xF7A, s1;
	s8 =	simm.s32 @!p0 $0x1BF5;
	p2 =	por !p2, p0  }
0x20: {  	[sflag:s8] =	ssyncset.s32 @!p0 $0xFFFFF086;
	s6 =	sadd.s32 @!p0 s3, s7;
	s7 =	simm.s32 @!p0 $0x108  }
0x21: {  	s3 =	sadd.s32 s3, s9;
	s6 =	sadd.s32 @!p0 $0x88, s6;
	s7 =	simm.s32 @p2 $0x1082  }
0x22: {  	[simem:s7], [sflag:s8] =	dma.local @!p0 [hbm:s6], $0xF7A  }
0x23: {  	s9 =	sor.u32 $0xD0000000, s2;
	s6 =	simm.s32 $0x108;
	_ =	swait.ge @!p0 [sflag:s8], $0x0  }
0x24: {  	s3 =	sadd.s32 $0x88, s3;
	s6 =	simm.s32 @!p1 $0x1082;
	[sflag:s4] =	ssyncset.s32 $0xFFFFF086  }
0x25: {  	[simem:s6], [sflag:s4] =	dma.local [hbm:s3], $0xF7A  }
0x26: {  	[smem:$0x3F9E] =	sst s1;
	(tag) =	ssettag s2;
	_ =	strace s9  }
0x27: {  	s1 =	sld [smem:$0x3FAE]  }
0x28: {  	s2 =	sld [smem:$0x3FAF]  }
0x29: {  	s4 =	sld [smem:$0x3FB1]  }
0x2a: {  	p0 =	seq.s32 s5, $0x0;
	s5 =	sld [smem:$0x3FB2]  }
0x2b: {  	s6 =	sld [smem:$0x3FB3]  }
0x2c: {  	s7 =	sld [smem:$0x3FB4]  }
0x2d: {  	s3 =	simm.s32 $0x108;
	s8 =	sld [smem:$0x3FB5]  }
0x2e: {  	s3 =	simm.s32 @!p0 $0x1082;
	s9 =	sld [smem:$0x3FB6]  }
0x2f: {  	lr =	sadd.s32 s0, s3;
	s0 =	sld [smem:$0x3FAD]  }
0x30: {  	s3 =	sld [smem:$0x3FB0]  }
0x31: {  	[smem:$0x3FB9] =	sst s10  }
0x32: {  	s10 =	sld [smem:$0x3FB7];
	_ =	sdelay $0x3  }
0x33: {  	p0 =	seq.s32 s10, $0x1;
	s10 =	sld [smem:$0x3FB9];
	_ =	sdelay $0x3  }
0x34: {  	[smem:$0x3FB9] =	sst s10  }
0x35: {  	s10 =	sld [smem:$0x3FB8];
	_ =	sdelay $0x3  }
0x36: {  	p1 =	seq.s32 s10, $0x1;
	s10 =	sld [smem:$0x3FB9];
	_ =	sdelay $0x3  }
0x37: {  	[smem:$0x3FB9] =	sst s10  }
0x38: {  	s10 =	sld [smem:$0x3FBA]  }
0x39: {  	_ = 	snop;
	(pc) =	sbr.ind lr, $3  }
0x3a: {  	_ = 	snop  }
0x3b: {  	_ = 	snop  }
0x3c: {  	p2 =	seq.s32 s10, $0x1;
	s10 =	sld [smem:$0x3FB9]  }
0x3d: {  	_ =	shalt  }
0x3e: {  	_ =	shalt  }
0x3f: {  	_ =	shalt  }
0x40: {  	_ =	shalt  }
0x41: {  	_ =	shalt  }
0x42: {  	_ =	shalt  }
0x43: {  	_ =	shalt  }
0x44: {  	_ =	shalt  }
0x45: {  	_ =	shalt  }
0x46: {  	_ =	shalt  }
0x47: {  	_ =	shalt  }
0x48: {  	_ =	shalt  }
0x49: {  	_ =	shalt  }
0x4a: {  	_ =	shalt  }
0x4b: {  	_ =	shalt  }
0x4c: {  	_ =	shalt  }
0x4d: {  	_ =	shalt  }
0x4e: {  	_ =	shalt  }
0x4f: {  	_ =	shalt  }
0x50: {  	_ =	shalt  }
0x51: {  	_ =	shalt  }
0x52: {  	_ =	shalt  }
0x53: {  	_ =	shalt  }
0x54: {  	_ =	shalt  }
0x55: {  	_ =	shalt  }
0x56: {  	_ =	shalt  }
0x57: {  	_ =	shalt  }
0x58: {  	_ =	shalt  }
0x59: {  	_ =	shalt  }
0x5a: {  	_ =	shalt  }
0x5b: {  	_ =	shalt  }
0x5c: {  	_ =	shalt  }
0x5d: {  	_ =	shalt  }
0x5e: {  	_ =	shalt  }
0x5f: {  	_ =	shalt  }
0x60: {  	_ =	shalt  }
0x61: {  	_ =	shalt  }
0x62: {  	_ =	shalt  }
0x63: {  	_ =	shalt  }
0x64: {  	_ =	shalt  }
0x65: {  	_ =	shalt  }
0x66: {  	_ =	shalt  }
0x67: {  	_ =	shalt  }
0x68: {  	_ =	shalt  }
0x69: {  	_ =	shalt  }
0x6a: {  	_ =	shalt  }
0x6b: {  	_ =	shalt  }
0x6c: {  	_ =	shalt  }
0x6d: {  	_ =	shalt  }
0x6e: {  	_ =	shalt  }
0x6f: {  	_ =	shalt  }
0x70: {  	_ =	shalt  }
0x71: {  	_ =	shalt  }
0x72: {  	_ =	shalt  }
0x73: {  	_ =	shalt  }
0x74: {  	_ =	shalt  }
0x75: {  	_ =	shalt  }
0x76: {  	_ =	shalt  }
0x77: {  	_ =	shalt  }
0x78: {  	_ =	shalt  }
0x79: {  	_ =	shalt  }
0x7a: {  	_ =	shalt  }
0x7b: {  	_ =	shalt  }
0x7c: {  	_ =	shalt  }
0x7d: {  	_ =	shalt  }
0x7e: {  	_ =	shalt  }
0x7f: {  	_ =	shalt  }
0x80: {  	_ =	shalt  }
0x81: {  	_ =	shalt  }
0x82: {  	_ =	shalt  }
0x83: {  	_ =	shalt  }
0x84: {  	_ =	shalt  }
0x85: {  	_ =	shalt  }
0x86: {  	_ =	shalt  }
0x87: {  	_ =	shalt  }
.Lfunc_end0:
.L_simem_size_0:
called_computation_lowered:
.L_overlay_start_0:
0x88: {  	s2 =	sld [smem:$0x3FD9]  }
0x89: {  	s3 =	sld [smem:$0x3FFE];
	_ =	sdelay $0x1  }
0x8a: {  	s1 =	srdreg.scid  }
0x8b: {  	s0 =	sand.u32 $0x1, s1  }
0x8c: {  	s14 =	sshll.u32 s0, $0xA;
	s2 =	sadd.s32 s3, s2  }
0x8d: {  	s2 =	sadd.s32 s2, s14  }
0x8e: {  	[smem:$0x3FC5] =	sst s2  }
0x8f: {  	_ = 	snop  }
0x90: {  	s2 =	sld [smem:$0x3FD0];
	_ =	sdelay $0x2  }
0x91: {  	s15 =	simm.s32 $0xA;
	s4 =	simm.s32 $0x10  }
0x92: {  	[smem:s4], [sflag:s15] =	dma.local [hbm:s2], $0x1  }
0x93: {  	_ =	swait.eq [sflag:s15], $0x1  }
0x94: {  	[sflag:s15] =	ssyncset.done $0x0  }
0x95: {  	[sflag:s15] =	ssyncadd.s32 $0xFFFFFFFF  }
0x96: {  	s16 =	sld [smem:$0x10];
	(tm) =	ssettm $0x1  }
0x97: {  	s17 =	sld [smem:$0x3FFB];
	_ =	sdelay $0x3  }
0x98: {  	_ =	strace s17  }
0x99: {  	s3 =	sld [smem:$0x3FFC];
	_ =	sdelay $0x3  }
0x9a: {  	_ =	strace s3  }
0x9b: {  	s3 =	sld [smem:$0x3FFD];
	_ =	sdelay $0x3  }
0x9c: {  	_ =	strace s3  }
0x9d: {  	_ =	strace $0x8FFFFFFF  }
0x9e: {  	s18 =	sld [smem:$0x3FDB];
	_ =	sdelay $0x1  }
0x9f: {  	s19 =	simm.s32 $_scs_section_size  }
0xa0: {  	s5 =	simm.s32 $_size__tile_overlayer_lowered;
	s6 =	simm.s32 $_tile_overlayer_lowered  }
0xa1: {  	s22 =	simm.s32 $0x1BFF;
	s21 =	sshll.u32 s6, $0x1;
	s3 =	sadd.s32 s19, s18  }
0xa2: {  	s7 =	simm.s32 $0x0;
	s20 =	sshll.u32 s5, $0x1;
	s5 =	sadd.s32 s21, s3  }
0xa3: {  	[timem:s7], [sflag:s22] =	dma.local [hbm:s5], s20  }
0xa4: {  	_ =	swait.ge [sflag:s22], s20  }
0xa5: {  	s4 =	ssub.s32 $0x0, s20;
	[sflag:s22] =	ssyncset.done $0x0  }
0xa6: {  	[sflag:s22] =	ssyncadd.s32 s4;
	_ =	sdelay $0x1  }
0xa7: {  	s23 =	simm.s32 $0x1B8B  }
0xa8: {  	_ =	swait.ge [sflag:s23], $0x1  }
0xa9: {  	[sflag:s23] =	ssyncset.done $0x0  }
0xaa: {  	s25 =	simm.s32 $0x1B8E;
	s24 =	sld [smem:$0x3FFE];
	[sflag:s23] =	ssyncadd.s32 $0xFFFFFFFF  }
0xab: {  	s26 =	simm.s32 $execute0_lowered;
	[smem:$0x3FD2] =	sst s25  }
0xac: {  	s5 =	sshll.u32 s26, $0x1;
	_ =	strace $0x80000046;
	[dreg:$0x1] =	wrdreg $0xFFFFFFFF  }
0xad: {  	s28 =	simm.s32 $_size_execute0_lowered;
	s3 =	sadd.s32 s3, s5;
	[dreg:$0x0] =	wrdreg $0x0  }
0xae: {  	s5 =	sshll.u32 s28, $0x1;
	[dreg:$0x2] =	wrdreg s3  }
0xaf: {  	[dreg:$0x3] =	wrdreg s5  }
0xb0: {  	[dreg:$0x4] =	wrdreg $0xC0  }
0xb1: {  	_ =	task [dreg:s7], $0x5FFFF  }
0xb2: {  	[dreg:$0x1] =	wrdreg $0xFFFFFFFF  }
0xb3: {  	[dreg:$0x0] =	wrdreg $0x60  }
0xb4: {  	[dreg:$0x2] =	wrdreg s24  }
0xb5: {  	[dreg:$0x3] =	wrdreg s16  }
0xb6: {  	[dreg:$0x4] =	wrdreg $0x9  }
0xb7: {  	_ =	task.clear_ibuf [dreg:s7], $0x5FFFF;
	_ =	strace $0x90000046  }
0xb8: {  	s29 =	simm.s32 $0x9;
	_ =	strace $0x80000048  }
0xb9: {  	_ =	swait.ge [sflag:s29], $0x1  }
0xba: {  	[sflag:s29] =	ssyncadd.s32 $0xFFFFFFFF  }
0xbb: {  	_ =	strace $0x90000048  }
0xbc: {  	_ =	sfence  }
0xbd: {  	s30 =	sld [smem:$0x0];
	_ =	sdelay $0x2  }
0xbe: {  	s31 =	sshll.u32 s1, $0xD;
	s1 =	sshrl.u32 s1, $0x2  }
0xbf: {  	s3 =	sand.u32 $0x4000, s31;
	s1 =	sadd.s32 s1, s30  }
0xc0: {  	s0 =	sor.u32 s3, s0;
	s1 =	sshll.u32 s1, $0x11  }
0xc1: {  	s0 =	sor.u32 s1, s0  }
0xc2: {  	s0 =	sadd.s32 $0x8F2B, s0  }
0xc3: {  	[sflag:s0] =	ssyncadd.remote.s32 $0x1  }
0xc4: {  	_ =	sfence.sel $0xFFFF  }
0xc5: {  	[dreg:$0x0] =	wrdreg $0xFFFFFFFF;
	(pc) =	sbr.abs _section_cstart, $3  }
0xc6: {  	[dreg:$0x1] =	wrdreg $0xFFFFFFFF  }
0xc7: {  	_ =	task.clear_ibuf [dreg:s7], $0x2FFFF;
	_ =	strace $0x9FFFFFFF  }
0xc8: {  	(tm) =	ssettm $0x7FFFFFFF  }
0xc9: {  	_ =	shalt  }
tec
execute0_lowered:
.L_overlay_start_1:
0x0: {  	(tag) =	ssettag $0x1  }
0x1: {  	s0 =	srdreg.scid;
	s2 =	rddreg [dreg:$0x0]  }
0x2: {  	s12 =	stileid.u32;
	s3 =	rddreg [dreg:$0x1]  }
0x3: {  	s4 =	simm.s32 $0x0;
	s7 =	simm.s32 $0x1;
	s16 =	simm.s32 $0x4  }
0x4: {  	s17 =	simm.s32 $0x3E00;
	s19 =	simm.s32 $0xBE00;
	s20 =	simm.s32 $0x3C  }
0x5: {  	s23 =	simm.s32 $0x5E00;
	s24 =	simm.s32 $0xF00;
	s25 =	simm.s32 $0x7E00  }
0x6: {  	s28 =	simm.s32 $0x9E00;
	s0 =	sand.u32 $0x1, s0;
	s1 =	sshll.u32 s12, $0x1  }
0x7: {  	s29 =	simm.s32 $0x3;
	s30 =	simm.s32 $0x2;
	s1 =	sor.u32 s0, s1  }
0x8: {  	s31 =	simm.s32 $0xDE00;
	s15 =	simm.s32 $0x3D00;
	s5 =	smul.u32 $0x18, s1  }
0x9: {  	s18 =	simm.s32 $0x3D80;
	s21 =	simm.s32 $0x0;
	[smem:$0x7FF] =	sst s4  }
0xa: {  	s8 =	sadd.s32 $0x138000, s2;
	s12 =	smul.u32 $0x2D00, s12;
	s6 =	sshrl.u32 s5, $0x3  }
0xb: {  	_ =	strace $0x80000047;
	s9 =	ssub.s32 $0x2, s0;
	s6 =	sand.u32 $0x7, s6  }
0xc: {  	s0 =	smul.u32 $0x1680, s0;
	p0 =	seq.s32 s1, $0x0;
	p1 =	sne.s32 s6, $0x0  }
0xd: {  	s11 =	sshrl.u32 s9, $0x1;
	s1 =	smul.u32 $0xC00, s1;
	p0 =	por !p0, !p1  }
0xe: {  	s11 =	ssub.s32 s9, s11;
	s10 =	sshrl.u32 s5, $0x6;
	p0 =	por !p0, !p0  }
0xf: {  	s5 =	sadd.s32 $0x13B000, s2;
	s1 =	sshrl.u32 s1, $0x3;
	s7 =	simm.s32 @!p0 $0x0  }
0x10: {  	s1 =	sadd.s32 s8, s1;
	s26 =	sshll.u32 s6, $0xA;
	s7 =	ssub.s32 s10, s7  }
0x11: {  	s6 =	simm.s32 $0x1;
	s9 =	sadd.s32 $0x100, s1;
	s7 =	sshll.u32 s7, $0xD  }
0x12: {  	s10 =	smax.u32 s11, $0x1;
	s11 =	sadd.s32 s0, s12;
	s7 =	sor.u32 s26, s7  }
0x13: {  	s12 =	simm.s32 $0x5;
	s0 =	simm.s32 $0x11E00;
	s7 =	sshrl.u32 s7, $0x3  }
0x14: {  	s7 =	sadd.s32 s8, s7;
	s8 =	sadd.s32 $0x80, s1;
	s1 =	simm.s32 $0xFE00  }
.LBB2_1:
0x15: {  	[tilespmem:s4], [sflag:$0x5] =	stream.linear.gather [hbm4b:s7+s4], $0x400, $0x38;
	[tilespmem:$0x13E00] =	vst v63  }
0x16: {  	_ =	swait.ge [sflag:s12], $0x400  }
0x17: {  	[sflag:s12] =	ssyncset.done $0x0  }
0x18: {  	s13 =	simm.s32 $0x400;
	[sflag:s12] =	ssyncadd.s32 $0xFFFFFC00  }
0x19: {  	[tilespmem:s13], [sflag:$0x5] =	stream.linear.gather [hbm4b:s8+s4], $0x400, $0x38;
	[tilespmem:$0x13E00] =	vst v63  }
0x1a: {  	_ =	swait.ge [sflag:s12], $0x400  }
0x1b: {  	[sflag:s12] =	ssyncset.done $0x0  }
0x1c: {  	s14 =	simm.s32 $0x800;
	[sflag:s12] =	ssyncadd.s32 $0xFFFFFC00  }
0x1d: {  	[tilespmem:s14], [sflag:$0x5] =	stream.linear.gather [hbm4b:s9+s4], $0x400, $0x38;
	[tilespmem:$0x13E00] =	vst v63  }
0x1e: {  	_ =	swait.ge [sflag:s12], $0x400  }
0x1f: {  	[sflag:s12] =	ssyncset.done $0x0  }
0x20: {  	s22 =	simm.s32 $0xC00;
	[sflag:s12] =	ssyncadd.s32 $0xFFFFFC00  }
0x21: {  	[tilespmem:s22], [sflag:$0x5] =	stream.linear.gather [hbm4b:s5+s4], $0x200, $0x38;
	[tilespmem:$0x13E00] =	vst v63  }
0x22: {  	_ =	swait.ge [sflag:s12], $0x200  }
0x23: {  	[sflag:s12] =	ssyncset.done $0x0  }
0x24: {  	[sflag:s12] =	ssyncadd.s32 $0xFFFFFE00  }
0x25: {  	v0 =	vld [tilespmem:$0xC00];
	_ =	sdelay $0x3  }
0x26: {  	s26 =	sadd.s32 $0x0, s11  }
0x27: {  	v0 =	vadd.s32 s26, v0  }
0x28: {  	[tilespmem:s24+$0xFFFFFF00] =	vst v0  }
0x29: {  	v0 =	vld [tilespmem:$0xC10];
	_ =	sdelay $0x4  }
0x2a: {  	v0 =	vadd.s32 s26, v0  }
0x2b: {  	[tilespmem:s24+$0xFFFFFF10] =	vst v0  }
0x2c: {  	v0 =	vld [tilespmem:$0xC20];
	_ =	sdelay $0x4  }
0x2d: {  	v0 =	vadd.s32 s26, v0  }
0x2e: {  	[tilespmem:s24+$0xFFFFFF20] =	vst v0  }
0x2f: {  	v0 =	vld [tilespmem:$0xC2C];
	_ =	sdelay $0x4  }
0x30: {  	v0 =	vadd.s32 s26, v0  }
0x31: {  	[tilespmem:s24+$0xFFFFFF2C] =	vst v0  }
0x32: {  	v0 =	vld [tilespmem:$0xC80];
	_ =	sdelay $0x4  }
0x33: {  	v0 =	vadd.s32 s26, v0  }
0x34: {  	[tilespmem:s24+$0xFFFFFF80] =	vst v0  }
0x35: {  	v0 =	vld [tilespmem:$0xC90];
	_ =	sdelay $0x4  }
0x36: {  	v0 =	vadd.s32 s26, v0  }
0x37: {  	[tilespmem:s24+$0xFFFFFF90] =	vst v0  }
0x38: {  	v0 =	vld [tilespmem:$0xCA0];
	_ =	sdelay $0x4  }
0x39: {  	v0 =	vadd.s32 s26, v0  }
0x3a: {  	[tilespmem:s24+$0xFFFFFFA0] =	vst v0  }
0x3b: {  	v0 =	vld [tilespmem:$0xCAC];
	_ =	sdelay $0x4  }
0x3c: {  	v0 =	vadd.s32 s26, v0  }
0x3d: {  	[tilespmem:s24+$0xFFFFFFAC] =	vst v0  }
0x3e: {  	v0 =	vld [tilespmem:$0xD00];
	_ =	sdelay $0x4  }
0x3f: {  	v0 =	vadd.s32 s26, v0  }
0x40: {  	[tilespmem:s24+$0x0] =	vst v0  }
0x41: {  	v0 =	vld [tilespmem:$0xD10];
	_ =	sdelay $0x4  }
0x42: {  	v0 =	vadd.s32 s26, v0  }
0x43: {  	[tilespmem:s24+$0x10] =	vst v0  }
0x44: {  	v0 =	vld [tilespmem:$0xD20];
	_ =	sdelay $0x4  }
0x45: {  	v0 =	vadd.s32 s26, v0  }
0x46: {  	[tilespmem:s24+$0x20] =	vst v0  }
0x47: {  	v0 =	vld [tilespmem:$0xD2C];
	_ =	sdelay $0x4  }
0x48: {  	v0 =	vadd.s32 s26, v0  }
0x49: {  	[tilespmem:s24+$0x2C] =	vst v0  }
0x4a: {  	v0 =	vld [tilespmem:$0xD80];
	_ =	sdelay $0x4  }
0x4b: {  	v0 =	vadd.s32 s26, v0  }
0x4c: {  	[tilespmem:s24+$0x80] =	vst v0  }
0x4d: {  	v0 =	vld [tilespmem:$0xD90];
	_ =	sdelay $0x4  }
0x4e: {  	v0 =	vadd.s32 s26, v0  }
0x4f: {  	[tilespmem:s24+$0x90] =	vst v0  }
0x50: {  	v0 =	vld [tilespmem:$0xDA0];
	_ =	sdelay $0x4  }
0x51: {  	v0 =	vadd.s32 s26, v0  }
0x52: {  	[tilespmem:s24+$0xA0] =	vst v0  }
0x53: {  	v0 =	vld [tilespmem:$0xDAC];
	_ =	sdelay $0x4  }
0x54: {  	v0 =	vadd.s32 s26, v0  }
0x55: {  	[tilespmem:s24+$0xAC] =	vst v0  }
0x56: {  	s13 =	simm.s32 $0x1E0;
	s22 =	simm.s32 $0xF0;
	s26 =	simm.s32 $0xF00;
	v0 =	vld [tilespmem:$0xC00]  }
.LBB2_2:
0x57: {  	p0 =	sne.s32 s13, $0x1590;
	_ =	sdelay $0x2  }
0x58: {  	s14 =	sadd.s32 s22, s11;
	s22 =	smov.u32 s13  }
0x59: {  	s26 =	sadd.s32 $0x200, s26;
	v0 =	vadd.s32 s14, v0  }
0x5a: {  	[tilespmem:s26+$0xFFFFFF00] =	vst v0  }
0x5b: {  	v0 =	vld [tilespmem:$0xC10];
	_ =	sdelay $0x4  }
0x5c: {  	v0 =	vadd.s32 s14, v0  }
0x5d: {  	[tilespmem:s26+$0xFFFFFF10] =	vst v0  }
0x5e: {  	v0 =	vld [tilespmem:$0xC20];
	_ =	sdelay $0x4  }
0x5f: {  	v0 =	vadd.s32 s14, v0  }
0x60: {  	[tilespmem:s26+$0xFFFFFF20] =	vst v0  }
0x61: {  	v0 =	vld [tilespmem:$0xC2C];
	_ =	sdelay $0x4  }
0x62: {  	v0 =	vadd.s32 s14, v0  }
0x63: {  	[tilespmem:s26+$0xFFFFFF2C] =	vst v0  }
0x64: {  	v0 =	vld [tilespmem:$0xC80];
	_ =	sdelay $0x4  }
0x65: {  	v0 =	vadd.s32 s14, v0  }
0x66: {  	[tilespmem:s26+$0xFFFFFF80] =	vst v0  }
0x67: {  	v0 =	vld [tilespmem:$0xC90];
	_ =	sdelay $0x4  }
0x68: {  	v0 =	vadd.s32 s14, v0  }
0x69: {  	[tilespmem:s26+$0xFFFFFF90] =	vst v0  }
0x6a: {  	v0 =	vld [tilespmem:$0xCA0];
	_ =	sdelay $0x4  }
0x6b: {  	v0 =	vadd.s32 s14, v0  }
0x6c: {  	[tilespmem:s26+$0xFFFFFFA0] =	vst v0  }
0x6d: {  	v0 =	vld [tilespmem:$0xCAC];
	_ =	sdelay $0x4  }
0x6e: {  	v0 =	vadd.s32 s14, v0  }
0x6f: {  	[tilespmem:s26+$0xFFFFFFAC] =	vst v0  }
0x70: {  	v0 =	vld [tilespmem:$0xD00];
	_ =	sdelay $0x4  }
0x71: {  	v0 =	vadd.s32 s14, v0  }
0x72: {  	[tilespmem:s26+$0x0] =	vst v0  }
0x73: {  	v0 =	vld [tilespmem:$0xD10];
	_ =	sdelay $0x4  }
0x74: {  	v0 =	vadd.s32 s14, v0  }
0x75: {  	[tilespmem:s26+$0x10] =	vst v0  }
0x76: {  	v0 =	vld [tilespmem:$0xD20];
	_ =	sdelay $0x4  }
0x77: {  	v0 =	vadd.s32 s14, v0  }
0x78: {  	[tilespmem:s26+$0x20] =	vst v0  }
0x79: {  	v0 =	vld [tilespmem:$0xD2C];
	_ =	sdelay $0x4  }
0x7a: {  	v0 =	vadd.s32 s14, v0  }
0x7b: {  	[tilespmem:s26+$0x2C] =	vst v0  }
0x7c: {  	v0 =	vld [tilespmem:$0xD80];
	_ =	sdelay $0x4  }
0x7d: {  	v0 =	vadd.s32 s14, v0  }
0x7e: {  	[tilespmem:s26+$0x80] =	vst v0  }
0x7f: {  	v0 =	vld [tilespmem:$0xD90];
	_ =	sdelay $0x4  }
0x80: {  	v0 =	vadd.s32 s14, v0  }
0x81: {  	[tilespmem:s26+$0x90] =	vst v0  }
0x82: {  	v0 =	vld [tilespmem:$0xDA0];
	_ =	sdelay $0x4  }
0x83: {  	v0 =	vadd.s32 s14, v0  }
0x84: {  	[tilespmem:s26+$0xA0] =	vst v0  }
0x85: {  	v0 =	vld [tilespmem:$0xDAC];
	_ =	sdelay $0x2  }
.Ltmp0:
0x86: {  	(pc) =	sbr.rel @p0 .LBB2_2-.Ltmp0, $4  }
0x87: {  	_ = 	snop  }
0x88: {  	v0 =	vadd.s32 s14, v0  }
0x89: {  	[tilespmem:s26+$0xAC] =	vst v0  }
0x8a: {  	s13 =	sadd.s32 $0xF0, s13;
	v0 =	vld [tilespmem:$0xC00]  }
0x8b: {  	_ =	sdelay $0x2  }
0x8c: {  	s13 =	sadd.s32 s22, s11  }
0x8d: {  	s14 =	sadd.s32 $0x200, s26;
	v0 =	vadd.s32 s13, v0  }
0x8e: {  	[tilespmem:s14+$0xFFFFFF00] =	vst v0  }
0x8f: {  	v0 =	vld [tilespmem:$0xC10];
	_ =	sdelay $0x4  }
0x90: {  	v0 =	vadd.s32 s13, v0  }
0x91: {  	[tilespmem:s14+$0xFFFFFF10] =	vst v0  }
0x92: {  	v0 =	vld [tilespmem:$0xC20];
	_ =	sdelay $0x4  }
0x93: {  	v0 =	vadd.s32 s13, v0  }
0x94: {  	[tilespmem:s14+$0xFFFFFF20] =	vst v0  }
0x95: {  	v0 =	vld [tilespmem:$0xC2C];
	_ =	sdelay $0x4  }
0x96: {  	v0 =	vadd.s32 s13, v0  }
0x97: {  	[tilespmem:s14+$0xFFFFFF2C] =	vst v0  }
0x98: {  	v0 =	vld [tilespmem:$0xC80];
	_ =	sdelay $0x4  }
0x99: {  	v0 =	vadd.s32 s13, v0  }
0x9a: {  	[tilespmem:s14+$0xFFFFFF80] =	vst v0  }
0x9b: {  	v0 =	vld [tilespmem:$0xC90];
	_ =	sdelay $0x4  }
0x9c: {  	v0 =	vadd.s32 s13, v0  }
0x9d: {  	[tilespmem:s14+$0xFFFFFF90] =	vst v0  }
0x9e: {  	v0 =	vld [tilespmem:$0xCA0];
	_ =	sdelay $0x4  }
0x9f: {  	v0 =	vadd.s32 s13, v0  }
0xa0: {  	[tilespmem:s14+$0xFFFFFFA0] =	vst v0  }
0xa1: {  	v0 =	vld [tilespmem:$0xCAC];
	_ =	sdelay $0x4  }
0xa2: {  	v0 =	vadd.s32 s13, v0  }
0xa3: {  	[tilespmem:s14+$0xFFFFFFAC] =	vst v0  }
0xa4: {  	v0 =	vld [tilespmem:$0xD00];
	_ =	sdelay $0x4  }
0xa5: {  	v0 =	vadd.s32 s13, v0  }
0xa6: {  	[tilespmem:s14+$0x0] =	vst v0  }
0xa7: {  	v0 =	vld [tilespmem:$0xD10];
	_ =	sdelay $0x4  }
0xa8: {  	v0 =	vadd.s32 s13, v0  }
0xa9: {  	[tilespmem:s14+$0x10] =	vst v0  }
0xaa: {  	v0 =	vld [tilespmem:$0xD20];
	_ =	sdelay $0x4  }
0xab: {  	v0 =	vadd.s32 s13, v0  }
0xac: {  	[tilespmem:s14+$0x20] =	vst v0  }
0xad: {  	v0 =	vld [tilespmem:$0xD2C];
	_ =	sdelay $0x4  }
0xae: {  	v0 =	vadd.s32 s13, v0  }
0xaf: {  	[tilespmem:s14+$0x2C] =	vst v0  }
0xb0: {  	v0 =	vld [tilespmem:$0xD80];
	_ =	sdelay $0x4  }
0xb1: {  	v0 =	vadd.s32 s13, v0  }
0xb2: {  	[tilespmem:s14+$0x80] =	vst v0  }
0xb3: {  	v0 =	vld [tilespmem:$0xD90];
	_ =	sdelay $0x4  }
0xb4: {  	v0 =	vadd.s32 s13, v0  }
0xb5: {  	[tilespmem:s14+$0x90] =	vst v0  }
0xb6: {  	v0 =	vld [tilespmem:$0xDA0];
	_ =	sdelay $0x4  }
0xb7: {  	v0 =	vadd.s32 s13, v0  }
0xb8: {  	[tilespmem:s14+$0xA0] =	vst v0  }
0xb9: {  	v0 =	vld [tilespmem:$0xDAC];
	_ =	sdelay $0x4  }
0xba: {  	v0 =	vadd.s32 s13, v0  }
0xbb: {  	s22 =	simm.s32 $0x0;
	[tilespmem:s14+$0xAC] =	vst v0  }
0xbc: {  	[tilespmem:s17], [sflag:$0x1] =	stream.indirect.gather [hbm4b:s2+s16], $0x2000, s22, s16, $0xb8;
	[tilespmem:$0x13E00] =	vst v63  }
0xbd: {  	s26 =	simm.s32 $0x80  }
0xbe: {  	[tilespmem:s19], [sflag:$0x2] =	stream.indirect.gather [hbm4b:s2+s16], $0x2000, s26, s16, $0xb8;
	[tilespmem:$0x13E00] =	vst v63  }
0xbf: {  	_ =	swait.ge [sflag:s6], $0x8000  }
0xc0: {  	[sflag:s6] =	ssyncset.done $0x0  }
0xc1: {  	s14 =	simm.s32 $0xE00;
	[sflag:s6] =	ssyncadd.s32 $0xFFFF8000  }
0xc2: {  	[hbm4b:s3+s20] =	stream.indirect.scatter [tilespmem:s17], [sflag:$0x3], $0x80, s14, s20, $0xb8;
	[tilespmem:$0x13E00] =	vst v63  }
0xc3: {  	s22 =	simm.s32 $0xE80  }
0xc4: {  	[hbm4b:s3+s20] =	stream.indirect.scatter [tilespmem:s23], [sflag:$0x3], $0x80, s22, s20, $0xb8;
	[tilespmem:$0x13E00] =	vst v63  }
0xc5: {  	_ = 	snop  }
0xc6: {  	[hbm4b:s3+s20] =	stream.indirect.scatter [tilespmem:s25], [sflag:$0x3], $0x80, s24, s20, $0xb8;
	[tilespmem:$0x13E00] =	vst v63  }
0xc7: {  	s26 =	simm.s32 $0xF80  }
0xc8: {  	[hbm4b:s3+s20] =	stream.indirect.scatter [tilespmem:s28], [sflag:$0x3], $0x80, s26, s20, $0xb8;
	[tilespmem:$0x13E00] =	vst v63  }
0xc9: {  	_ =	swait.ge [sflag:s29], $0x1E00  }
0xca: {  	[sflag:s29] =	ssyncset.done $0x0  }
0xcb: {  	[sflag:s29] =	ssyncadd.s32 $0xFFFFE200  }
0xcc: {  	_ =	swait.ge [sflag:s29], $0x1E00  }
0xcd: {  	[sflag:s29] =	ssyncset.done $0x0  }
0xce: {  	[sflag:s29] =	ssyncadd.s32 $0xFFFFE200  }
0xcf: {  	_ =	swait.ge [sflag:s29], $0x1E00  }
0xd0: {  	[sflag:s29] =	ssyncset.done $0x0  }
0xd1: {  	[sflag:s29] =	ssyncadd.s32 $0xFFFFE200  }
0xd2: {  	_ =	swait.ge [sflag:s29], $0x1E00  }
0xd3: {  	[sflag:s29] =	ssyncset.done $0x0  }
0xd4: {  	s14 =	simm.s32 $0x100;
	[sflag:s29] =	ssyncadd.s32 $0xFFFFE200  }
0xd5: {  	[tilespmem:s17], [sflag:$0x1] =	stream.indirect.gather [hbm4b:s2+s16], $0x2000, s14, s16, $0xb8;
	[tilespmem:$0x13E00] =	vst v63  }
0xd6: {  	_ =	swait.ge [sflag:s30], $0x8000  }
0xd7: {  	[sflag:s30] =	ssyncset.done $0x0  }
0xd8: {  	s22 =	simm.s32 $0x1000;
	[sflag:s30] =	ssyncadd.s32 $0xFFFF8000  }
0xd9: {  	[hbm4b:s3+s20] =	stream.indirect.scatter [tilespmem:s19], [sflag:$0x4], $0x80, s22, s20, $0xb8;
	[tilespmem:$0x13E00] =	vst v63  }
0xda: {  	s26 =	simm.s32 $0x1080  }
0xdb: {  	[hbm4b:s3+s20] =	stream.indirect.scatter [tilespmem:s31], [sflag:$0x4], $0x80, s26, s20, $0xb8;
	[tilespmem:$0x13E00] =	vst v63  }
0xdc: {  	s14 =	simm.s32 $0x1100  }
0xdd: {  	[hbm4b:s3+s20] =	stream.indirect.scatter [tilespmem:s1], [sflag:$0x4], $0x80, s14, s20, $0xb8;
	[tilespmem:$0x13E00] =	vst v63  }
0xde: {  	s22 =	simm.s32 $0x1180  }
0xdf: {  	[hbm4b:s3+s20] =	stream.indirect.scatter [tilespmem:s0], [sflag:$0x4], $0x80, s22, s20, $0xb8;
	[tilespmem:$0x13E00] =	vst v63  }
0xe0: {  	_ =	swait.ge [sflag:s16], $0x1E00  }
0xe1: {  	[sflag:s16] =	ssyncset.done $0x0  }
0xe2: {  	[sflag:s16] =	ssyncadd.s32 $0xFFFFE200  }
0xe3: {  	_ =	swait.ge [sflag:s16], $0x1E00  }
0xe4: {  	[sflag:s16] =	ssyncset.done $0x0  }
0xe5: {  	[sflag:s16] =	ssyncadd.s32 $0xFFFFE200  }
0xe6: {  	_ =	swait.ge [sflag:s16], $0x1E00  }
0xe7: {  	[sflag:s16] =	ssyncset.done $0x0  }
0xe8: {  	[sflag:s16] =	ssyncadd.s32 $0xFFFFE200  }
0xe9: {  	_ =	swait.ge [sflag:s16], $0x1E00  }
0xea: {  	[sflag:s16] =	ssyncset.done $0x0  }
0xeb: {  	s26 =	simm.s32 $0x180;
	[sflag:s16] =	ssyncadd.s32 $0xFFFFE200  }
0xec: {  	[tilespmem:s19], [sflag:$0x2] =	stream.indirect.gather [hbm4b:s2+s16], $0x2000, s26, s16, $0xb8;
	[tilespmem:$0x13E00] =	vst v63  }
0xed: {  	_ =	swait.ge [sflag:s6], $0x8000  }
0xee: {  	[sflag:s6] =	ssyncset.done $0x0  }
0xef: {  	s14 =	simm.s32 $0x1200;
	[sflag:s6] =	ssyncadd.s32 $0xFFFF8000  }
0xf0: {  	[hbm4b:s3+s20] =	stream.indirect.scatter [tilespmem:s17], [sflag:$0x3], $0x80, s14, s20, $0xb8;
	[tilespmem:$0x13E00] =	vst v63  }
0xf1: {  	s13 =	simm.s32 $0x1000;
	s22 =	simm.s32 $0x1280  }
0xf2: {  	[hbm4b:s3+s20] =	stream.indirect.scatter [tilespmem:s23], [sflag:$0x3], $0x80, s22, s20, $0xb8;
	[tilespmem:$0x13E00] =	vst v63  }
0xf3: {  	s26 =	simm.s32 $0x1300;
	s14 =	simm.s32 $0x280;
	s22 =	simm.s32 $0x1380  }
0xf4: {  	[hbm4b:s3+s20] =	stream.indirect.scatter [tilespmem:s25], [sflag:$0x3], $0x80, s26, s20, $0xb8;
	[tilespmem:$0x13E00] =	vst v63  }
.LBB2_4:
0xf5: {  	[hbm4b:s3+s20] =	stream.indirect.scatter [tilespmem:s28], [sflag:$0x3], $0x80, s22, s20, $0xb8;
	[tilespmem:$0x13E00] =	vst v63  }
0xf6: {  	s22 =	smov.u32 s13  }
0xf7: {  	p0 =	sne.s32 s13, $0xA000;
	s13 =	sadd.s32 $0x1000, s13;
	_ =	swait.ge [sflag:s29], $0x1E00  }
0xf8: {  	[sflag:s29] =	ssyncset.done $0x0  }
0xf9: {  	[sflag:s29] =	ssyncadd.s32 $0xFFFFE200  }
0xfa: {  	_ =	swait.ge [sflag:s29], $0x1E00  }
0xfb: {  	[sflag:s29] =	ssyncset.done $0x0  }
0xfc: {  	[sflag:s29] =	ssyncadd.s32 $0xFFFFE200  }
0xfd: {  	_ =	swait.ge [sflag:s29], $0x1E00  }
0xfe: {  	[sflag:s29] =	ssyncset.done $0x0  }
0xff: {  	[sflag:s29] =	ssyncadd.s32 $0xFFFFE200  }
0x100: {  	_ =	swait.ge [sflag:s29], $0x1E00  }
0x101: {  	[sflag:s29] =	ssyncset.done $0x0  }
0x102: {  	s26 =	sadd.s32 $0xFFFFFF80, s14;
	[sflag:s29] =	ssyncadd.s32 $0xFFFFE200  }
0x103: {  	[tilespmem:s17], [sflag:$0x1] =	stream.indirect.gather [hbm4b:s2+s16], $0x2000, s26, s16, $0xb8;
	[tilespmem:$0x13E00] =	vst v63  }
0x104: {  	_ =	swait.ge [sflag:s30], $0x8000  }
0x105: {  	s22 =	sshra.s32 s22, $0x2;
	[sflag:s30] =	ssyncset.done $0x0  }
0x106: {  	s26 =	sadd.s32 $0x1000, s22;
	[sflag:s30] =	ssyncadd.s32 $0xFFFF8000  }
0x107: {  	[hbm4b:s3+s20] =	stream.indirect.scatter [tilespmem:s19], [sflag:$0x4], $0x80, s26, s20, $0xb8;
	[tilespmem:$0x13E00] =	vst v63  }
0x108: {  	s26 =	sadd.s32 $0x1080, s22  }
0x109: {  	[hbm4b:s3+s20] =	stream.indirect.scatter [tilespmem:s31], [sflag:$0x4], $0x80, s26, s20, $0xb8;
	[tilespmem:$0x13E00] =	vst v63  }
0x10a: {  	s26 =	sadd.s32 $0x1100, s22  }
0x10b: {  	[hbm4b:s3+s20] =	stream.indirect.scatter [tilespmem:s1], [sflag:$0x4], $0x80, s26, s20, $0xb8;
	[tilespmem:$0x13E00] =	vst v63  }
0x10c: {  	s26 =	sadd.s32 $0x1180, s22  }
0x10d: {  	[hbm4b:s3+s20] =	stream.indirect.scatter [tilespmem:s0], [sflag:$0x4], $0x80, s26, s20, $0xb8;
	[tilespmem:$0x13E00] =	vst v63  }
0x10e: {  	_ =	swait.ge [sflag:s16], $0x1E00  }
0x10f: {  	[sflag:s16] =	ssyncset.done $0x0  }
0x110: {  	[sflag:s16] =	ssyncadd.s32 $0xFFFFE200  }
0x111: {  	_ =	swait.ge [sflag:s16], $0x1E00  }
0x112: {  	[sflag:s16] =	ssyncset.done $0x0  }
0x113: {  	[sflag:s16] =	ssyncadd.s32 $0xFFFFE200  }
0x114: {  	_ =	swait.ge [sflag:s16], $0x1E00  }
0x115: {  	[sflag:s16] =	ssyncset.done $0x0  }
0x116: {  	[sflag:s16] =	ssyncadd.s32 $0xFFFFE200  }
0x117: {  	_ =	swait.ge [sflag:s16], $0x1E00  }
0x118: {  	[sflag:s16] =	ssyncset.done $0x0  }
0x119: {  	[sflag:s16] =	ssyncadd.s32 $0xFFFFE200  }
0x11a: {  	[tilespmem:s19], [sflag:$0x2] =	stream.indirect.gather [hbm4b:s2+s16], $0x2000, s14, s16, $0xb8;
	[tilespmem:$0x13E00] =	vst v63  }
0x11b: {  	_ =	swait.ge [sflag:s6], $0x8000  }
0x11c: {  	[sflag:s6] =	ssyncset.done $0x0  }
0x11d: {  	s26 =	sadd.s32 $0x1200, s22;
	[sflag:s6] =	ssyncadd.s32 $0xFFFF8000  }
0x11e: {  	[hbm4b:s3+s20] =	stream.indirect.scatter [tilespmem:s17], [sflag:$0x3], $0x80, s26, s20, $0xb8;
	[tilespmem:$0x13E00] =	vst v63  }
.Ltmp1:
0x11f: {  	s26 =	sadd.s32 $0x1280, s22;
	(pc) =	sbr.rel @p0 .LBB2_4-.Ltmp1, $4  }
0x120: {  	[hbm4b:s3+s20] =	stream.indirect.scatter [tilespmem:s23], [sflag:$0x3], $0x80, s26, s20, $0xb8;
	[tilespmem:$0x13E00] =	vst v63  }
0x121: {  	s26 =	sadd.s32 $0x1300, s22  }
0x122: {  	[hbm4b:s3+s20] =	stream.indirect.scatter [tilespmem:s25], [sflag:$0x3], $0x80, s26, s20, $0xb8;
	[tilespmem:$0x13E00] =	vst v63  }
0x123: {  	s14 =	sadd.s32 $0x100, s14;
	s22 =	sadd.s32 $0x1380, s22  }
0x124: {  	[hbm4b:s3+s20] =	stream.indirect.scatter [tilespmem:s28], [sflag:$0x3], $0x80, s22, s20, $0xb8;
	[tilespmem:$0x13E00] =	vst v63  }
0x125: {  	_ =	swait.ge [sflag:s29], $0x1E00  }
0x126: {  	[sflag:s29] =	ssyncset.done $0x0  }
0x127: {  	[sflag:s29] =	ssyncadd.s32 $0xFFFFE200  }
0x128: {  	_ =	swait.ge [sflag:s29], $0x1E00  }
0x129: {  	[sflag:s29] =	ssyncset.done $0x0  }
0x12a: {  	[sflag:s29] =	ssyncadd.s32 $0xFFFFE200  }
0x12b: {  	_ =	swait.ge [sflag:s29], $0x1E00  }
0x12c: {  	[sflag:s29] =	ssyncset.done $0x0  }
0x12d: {  	[sflag:s29] =	ssyncadd.s32 $0xFFFFE200  }
0x12e: {  	_ =	swait.ge [sflag:s29], $0x1E00  }
0x12f: {  	[sflag:s29] =	ssyncset.done $0x0  }
0x130: {  	[sflag:s29] =	ssyncadd.s32 $0xFFFFE200  }
0x131: {  	_ =	swait.ge [sflag:s30], $0x8000  }
0x132: {  	[sflag:s30] =	ssyncset.done $0x0  }
0x133: {  	s13 =	simm.s32 $0x3C00;
	[sflag:s30] =	ssyncadd.s32 $0xFFFF8000  }
0x134: {  	[hbm4b:s3+s20] =	stream.indirect.scatter [tilespmem:s19], [sflag:$0x4], $0x80, s13, s20, $0xb8;
	[tilespmem:$0x13E00] =	vst v63  }
0x135: {  	s26 =	simm.s32 $0x3C80  }
0x136: {  	[hbm4b:s3+s20] =	stream.indirect.scatter [tilespmem:s31], [sflag:$0x4], $0x80, s26, s20, $0xb8;
	[tilespmem:$0x13E00] =	vst v63  }
0x137: {  	_ = 	snop  }
0x138: {  	[hbm4b:s3+s20] =	stream.indirect.scatter [tilespmem:s1], [sflag:$0x4], $0x80, s15, s20, $0xb8;
	[tilespmem:$0x13E00] =	vst v63  }
0x139: {  	_ = 	snop  }
0x13a: {  	[hbm4b:s3+s20] =	stream.indirect.scatter [tilespmem:s0], [sflag:$0x4], $0x80, s18, s20, $0xb8;
	[tilespmem:$0x13E00] =	vst v63  }
0x13b: {  	_ =	swait.ge [sflag:s16], $0x1E00  }
0x13c: {  	[sflag:s16] =	ssyncset.done $0x0  }
0x13d: {  	[sflag:s16] =	ssyncadd.s32 $0xFFFFE200  }
0x13e: {  	_ =	swait.ge [sflag:s16], $0x1E00  }
0x13f: {  	[sflag:s16] =	ssyncset.done $0x0  }
0x140: {  	s21 =	sadd.s32 $0x1, s21;
	[sflag:s16] =	ssyncadd.s32 $0xFFFFE200  }
0x141: {  	p0 =	sne.s32 s21, s10;
	_ =	swait.ge [sflag:s16], $0x1E00  }
.Ltmp2:
0x142: {  	[sflag:s16] =	ssyncset.done $0x0;
	(pc) =	sbr.rel @p0 .LBB2_1-.Ltmp2, $4  }
0x143: {  	[sflag:s16] =	ssyncadd.s32 $0xFFFFE200  }
0x144: {  	_ =	swait.ge [sflag:s16], $0x1E00  }
0x145: {  	[sflag:s16] =	ssyncset.done $0x0  }
0x146: {  	[sflag:s16] =	ssyncadd.s32 $0xFFFFE200  }
0x147: {  	_ =	sfence.sel $0x180000  }
0x148: {  	[bflag:$0x0] =	sbarrier.arrive $0xFFFF  }
0x149: {  	_ =	strace $0x90000047  }
0x14a: {  	s0 =	stileid.u32;
	[bflag:$0x2] =	sbarrier.arrive $0xFFFF  }
0x14b: {  	p0 =	sne.s32 s0, $0x0;
	s0 =	rddreg [dreg:$0x2]  }
0x14c: {  	s0 =	sadd.s32 @!p0 $0x100000, s0  }
0x14d: {  	[sflag:s0] =	ssyncadd.tile.s32 @!p0 $0x1;
	_ =	shalt  }
.Lfunc_end2:
_tile_overlayer_lowered:
.L_overlay_start_2:
0x14e: {  	(tag) =	ssettag $0x2  }
0x14f: {  	s0 =	rddreg [dreg:$0x0];
	s2 =	stileid.u32  }
0x150: {  	s1 =	rddreg [dreg:$0x1];
	p0 =	sne.s32 s2, $0x0  }
0x151: {  	s3 =	rddreg [dreg:$0x2];
	[bflag:$0x3] =	sbarrier.arrive $0xFFFF;
	s2 =	simm.s32 @!p0 $0x1C05  }
0x152: {  	[timem:s3], [sflag:s2] =	dma.local @!p0 [hbm:s0], s1  }
0x153: {  	s0 =	simm.s32 @!p0 $0x5  }
0x154: {  	_ =	swait.ge @!p0 [sflag:s0], s1  }
0x155: {  	s1 =	ssub.s32 @!p0 $0x0, s1;
	[sflag:s0] =	ssyncset.done @!p0 $0x0  }
0x156: {  	[sflag:s0] =	ssyncadd.s32 @!p0 s1  }
0x157: {  	[bflag:$0x3] =	sbarrier.arrive $0xFFFF  }
0x158: {  	_ =	shalt  }

</sc_bundles>
